<compile_context>
chip_gen: v7x
topology: tpu7x:2x2x1
jax: 0.10.2.dev20260603
libtpu: 0.0.44.dev20260713+nightly
codegen_flags: <defaults>
</compile_context>

<pallas_src>
import functools

import jax
import jax.numpy as jnp
from jax import lax
from jax.experimental import pallas as pl
from jax.experimental.pallas import tpu as pltpu
from jax.experimental.pallas import tpu_sc as plsc

EMB = 128
NLAYER = 5
NN = 10000
NE = 320000
NG = 64

NC = 2
NS = 16
NTILE = NC * NS
CHUNK = 128
NCH = -(-NE // (NTILE * CHUNK))
NE_PAD = NTILE * NCH * CHUNK
AGG_ROWS = 10112
ROWS_PER_SUB = AGG_ROWS // NS
DUMP_ROW = NN
F_ROWS = 4 * NN

def _sc_agg_body(f_hbm, gidx_hbm, dst_hbm, zeros_hbm, out_hbm,
                 gidx_v, dst_v, rows_v, agg_sh, sem):
    cid = lax.axis_index("c")
    sid = lax.axis_index("s")
    wid = cid * NS + sid
    pltpu.sync_copy(gidx_hbm.at[wid], gidx_v)
    pltpu.sync_copy(dst_hbm.at[wid], dst_v)
    row0 = sid * ROWS_PER_SUB
    pltpu.sync_copy(zeros_hbm.at[pl.ds(row0, ROWS_PER_SUB)],
                    agg_sh.at[pl.ds(row0, ROWS_PER_SUB)])
    plsc.subcore_barrier()

    @pl.loop(0, NCH)
    def _chunk(j):
        pltpu.async_copy(f_hbm.at[gidx_v.at[j]], rows_v, sem).wait()
        pltpu.sync_copy(rows_v, agg_sh.at[dst_v.at[j]], add=True)

    plsc.subcore_barrier()
    pltpu.sync_copy(agg_sh.at[pl.ds(row0, ROWS_PER_SUB)],
                    out_hbm.at[cid, pl.ds(row0, ROWS_PER_SUB)])


@functools.lru_cache(maxsize=None)
def _get_sc_agg():
    mesh = plsc.VectorSubcoreMesh(
        core_axis_name="c", subcore_axis_name="s",
        num_cores=NC, num_subcores=NS)
    return pl.kernel(
        _sc_agg_body,
        out_type=jax.ShapeDtypeStruct((NC, AGG_ROWS, EMB), jnp.float32),
        mesh=mesh,
        scratch_types=[
            pltpu.VMEM((NCH, CHUNK), jnp.int32),
            pltpu.VMEM((NCH, CHUNK), jnp.int32),
            pltpu.VMEM((CHUNK, EMB), jnp.float32),
            pltpu.VMEM_SHARED((AGG_ROWS, EMB), jnp.float32),
            pltpu.SemaphoreType.DMA,
        ],
    )


def _build_f(f_ref, h, t_ref):
    for a in range(4):
        f_ref[a * NN:(a + 1) * NN, :] = jnp.maximum(h + t_ref[a:a + 1, :], 0.0)


def _enc_body(x_ref, src_ref, ea_ref, tab_ref, t0_ref, h_ref, f_ref, gidx_ref):
    iota = lax.broadcasted_iota(jnp.int32, (NN, 32), 1)
    oh = (x_ref[...] == iota).astype(jnp.float32)
    h = jnp.dot(oh, tab_ref[...], preferred_element_type=jnp.float32)
    h_ref[...] = h
    _build_f(f_ref, h, t0_ref)
    gidx_ref[...] = ea_ref[...] * NN + src_ref[...]


_tc_encode = pl.pallas_call(
    _enc_body,
    out_shape=(
        jax.ShapeDtypeStruct((NN, EMB), jnp.float32),
        jax.ShapeDtypeStruct((F_ROWS, EMB), jnp.float32),
        jax.ShapeDtypeStruct((NE // 128, 128), jnp.int32),
    ),
)


def _mlp_bn(h, agg_ref, w1_ref, b1_ref, w2_ref, b2_ref, g_ref, be_ref):
    z = h + agg_ref[0, :NN, :] + agg_ref[1, :NN, :]
    z = jnp.maximum(
        jnp.dot(z, w1_ref[...], preferred_element_type=jnp.float32)
        + b1_ref[...], 0.0)
    z = jnp.dot(z, w2_ref[...], preferred_element_type=jnp.float32) + b2_ref[...]
    mu = jnp.mean(z, axis=0, keepdims=True)
    zc = z - mu
    var = jnp.mean(zc * zc, axis=0, keepdims=True)
    z = zc * lax.rsqrt(var + 1e-5) * g_ref[...] + be_ref[...]
    return jnp.maximum(z, 0.0) + h


def _layer_body(h_ref, agg_ref, w1_ref, b1_ref, w2_ref, b2_ref, g_ref, be_ref,
                t_ref, ho_ref, f_ref):
    hn = _mlp_bn(h_ref[...], agg_ref, w1_ref, b1_ref, w2_ref, b2_ref, g_ref,
                 be_ref)
    ho_ref[...] = hn
    _build_f(f_ref, hn, t_ref)


_tc_layer = pl.pallas_call(
    _layer_body,
    out_shape=(
        jax.ShapeDtypeStruct((NN, EMB), jnp.float32),
        jax.ShapeDtypeStruct((F_ROWS, EMB), jnp.float32),
    ),
)


def _final_body(h_ref, agg_ref, w1_ref, b1_ref, w2_ref, b2_ref, g_ref, be_ref,
                batch_ref, wf1_ref, bf1_ref, wf2_ref, bf2_ref, out_ref):
    hn = _mlp_bn(h_ref[...], agg_ref, w1_ref, b1_ref, w2_ref, b2_ref, g_ref,
                 be_ref)
    iota = lax.broadcasted_iota(jnp.int32, (NN, NG), 1)
    oh = (batch_ref[...] == iota).astype(jnp.float32)
    pooled = lax.dot_general(oh, hn, (((0,), (0,)), ((), ())),
                             preferred_element_type=jnp.float32)
    p = jnp.maximum(
        jnp.dot(pooled, wf1_ref[...], preferred_element_type=jnp.float32)
        + bf1_ref[...], 0.0)
    out_ref[...] = (
        jnp.dot(p, wf2_ref[...], preferred_element_type=jnp.float32)
        + bf2_ref[...])


_tc_final = pl.pallas_call(
    _final_body,
    out_shape=jax.ShapeDtypeStruct((NG, 1), jnp.float32),
)


def kernel(x, edge_index, edge_attr, batch, feat_table, edge_tables,
           W1, b1, W2, b2, gamma, beta, Wf1, bf1, Wf2, bf2):
    x = x.astype(jnp.int32)
    src = edge_index[0].astype(jnp.int32)
    dst = edge_index[1].astype(jnp.int32)
    ea = edge_attr.astype(jnp.int32)
    batch = batch.astype(jnp.int32)

    tab32 = jnp.zeros((32, EMB), jnp.float32).at[:21].set(feat_table)
    h, f, gidx2d = _tc_encode(
        x.reshape(NN, 1), src.reshape(NE // 128, 128),
        ea.reshape(NE // 128, 128), tab32, edge_tables[0])

    pad = NE_PAD - NE
    gidx_t = jnp.concatenate(
        [gidx2d.reshape(NE), jnp.zeros((pad,), jnp.int32)]
    ).reshape(NTILE, NCH, CHUNK)
    dst_t = jnp.concatenate(
        [dst, jnp.full((pad,), DUMP_ROW, jnp.int32)]
    ).reshape(NTILE, NCH, CHUNK)
    zeros_agg = jnp.zeros((AGG_ROWS, EMB), jnp.float32)

    sc_agg = _get_sc_agg()
    for l in range(NLAYER):
        agg = sc_agg(f, gidx_t, dst_t, zeros_agg)
        if l < NLAYER - 1:
            h, f = _tc_layer(
                h, agg, W1[l], b1[l].reshape(1, EMB), W2[l],
                b2[l].reshape(1, EMB), gamma[l].reshape(1, EMB),
                beta[l].reshape(1, EMB), edge_tables[l + 1])
        else:
            out = _tc_final(
                h, agg, W1[l], b1[l].reshape(1, EMB), W2[l],
                b2[l].reshape(1, EMB), gamma[l].reshape(1, EMB),
                beta[l].reshape(1, EMB), batch.reshape(NN, 1),
                Wf1, bf1.reshape(1, 2 * EMB), Wf2, bf2.reshape(1, 1))
    return out

# --- scband reference (transcript-rebuilt; emitter-appended) ---
"""Pipeline reference for scband-ginenet-53197464928912 (READ-ONLY COPY).

The authoritative reference and input builder live on the scoring server;
editing this copy changes nothing except your own understanding.
"""

import jax, jax.numpy as jnp
import numpy as np

EMB = 128
L = 5
N = 10000
E = 320000
G = 64


def setup_inputs(seed: int = 0) -> dict:
    key = jax.random.key(seed)
    ks = jax.random.split(key, 16)
    inp = {}
    inp["x"] = jax.random.randint(ks[0], (N,), 0, 21)
    inp["edge_index"] = jax.random.randint(ks[1], (2, E), 0, N)
    inp["edge_attr"] = jax.random.randint(ks[2], (E,), 0, 4)
    inp["batch"] = jnp.sort(jax.random.randint(ks[3], (N,), 0, G))
    # learned parameters
    inp["feat_table"] = jax.random.normal(ks[4], (21, EMB), dtype=jnp.float32) * (1.0 / np.sqrt(EMB))
    inp["edge_tables"] = jax.random.normal(ks[5], (L, 4, EMB), dtype=jnp.float32) * (1.0 / np.sqrt(EMB))
    inp["W1"] = jax.random.normal(ks[6], (L, EMB, EMB), dtype=jnp.float32) * (1.0 / np.sqrt(EMB))
    inp["b1"] = jnp.zeros((L, EMB), dtype=jnp.float32)
    inp["W2"] = jax.random.normal(ks[7], (L, EMB, EMB), dtype=jnp.float32) * (1.0 / np.sqrt(EMB))
    inp["b2"] = jnp.zeros((L, EMB), dtype=jnp.float32)
    inp["gamma"] = jnp.ones((L, EMB), dtype=jnp.float32)
    inp["beta"] = jnp.zeros((L, EMB), dtype=jnp.float32)
    inp["Wf1"] = jax.random.normal(ks[8], (EMB, 2 * EMB), dtype=jnp.float32) * (1.0 / np.sqrt(EMB))
    inp["bf1"] = jnp.zeros((2 * EMB,), dtype=jnp.float32)
    inp["Wf2"] = jax.random.normal(ks[9], (2 * EMB, 1), dtype=jnp.float32) * (1.0 / np.sqrt(2 * EMB))
    inp["bf2"] = jnp.zeros((1,), dtype=jnp.float32)
    return inp


def reference(x, edge_index, edge_attr, batch, feat_table, edge_tables, W1, b1, W2, b2, gamma, beta, Wf1, bf1, Wf2, bf2):
    # feature_encoder: nn.Embedding(21, emb_dim)
    h = feat_table[x]
    src = edge_index[0]
    dst = edge_index[1]
    n = h.shape[0]
    for l in range(L):
        # GINELayer: message = relu(x_src + edge_embedding), scatter-add to dst
        e = edge_tables[l][edge_attr]
        msg = jax.nn.relu(h[src] + e)
        agg = jax.ops.segment_sum(msg, dst, num_segments=n)
        z = h + agg  # (1 + eps) * x + aggregation, eps = 0
        # GINE MLP: Linear -> ReLU -> Linear
        z = jax.nn.relu(z @ W1[l] + b1[l]) @ W2[l] + b2[l]
        # BatchNorm1d (training-mode batch statistics)
        mu = jnp.mean(z, axis=0)
        var = jnp.var(z, axis=0)
        z = (z - mu) / jnp.sqrt(var + 1e-5) * gamma[l] + beta[l]
        # ReLUActivation
        z = jax.nn.relu(z)
        # residual (add_residual=True)
        h = z + h
    # global_add_pool over graphs in batch
    pooled = jax.ops.segment_sum(h, batch, num_segments=G)
    # final_layers: Linear(emb, 2*emb) -> ReLU -> Linear(2*emb, num_tasks)
    out = jax.nn.relu(pooled @ Wf1 + bf1) @ Wf2 + bf2
    return out

if __name__ == "__main__":
    import jax
    _d = setup_inputs()
    print(jax.jit(kernel)(*tuple(_d.values())))

</pallas_src>

<mosaic_0001>
#map = affine_map<(d0, d1) -> (0, 0)>
#map1 = affine_map<(d0, d1) -> (0, 0, 0)>
module attributes {stable_mosaic.version = 14 : i64} {
  func.func @_sc_agg_body(%arg0: i32, %arg1: i32, %arg2: memref<40000x128xf32, #tpu.memory_space<hbm>>, %arg3: memref<32x79x128xi32, #tpu.memory_space<hbm>>, %arg4: memref<32x79x128xi32, #tpu.memory_space<hbm>>, %arg5: memref<10112x128xf32, #tpu.memory_space<hbm>>, %arg6: memref<2x10112x128xf32, #tpu.memory_space<hbm>>, %arg7: memref<79x128xi32, #tpu.memory_space<vmem>>, %arg8: memref<79x128xi32, #tpu.memory_space<vmem>>, %arg9: memref<128x128xf32, #tpu.memory_space<vmem>>, %arg10: memref<10112x128xf32, #tpu.memory_space<vmem_shared>>, %arg11: memref<!tpu.dma_semaphore, #tpu.memory_space<semaphore_mem>>) attributes {dimension_semantics = [#tpu.dimension_semantics<core_parallel>, #tpu.dimension_semantics<subcore_parallel>], iteration_bounds = array<i64: 2, 16>, scalar_prefetch = 0 : i64, scratch_operands = 5 : i64, tpu.core_type = #tpu.core_type<sc_vector_subcore>, window_params = [{transform_indices = #map}, {transform_indices = #map1}, {transform_indices = #map1}, {transform_indices = #map}, {transform_indices = #map1}]} {
    %mul3A = arith.constant 16 : i32
    %mul3A_0 = arith.muli %arg0, %mul3A : i32
    %add3A = arith.addi %mul3A_0, %arg1 : i32
    "tpu.region"() ({
      %run_scoped3A = tpu.sem_alloc : memref<!tpu.dma_semaphore, #tpu.memory_space<semaphore_mem>>
      %dma_start3A = arith.constant 0 : i32
      %dma_start3A_8 = arith.constant 0 : i32
      %dma_start3A_9 = tpu.memref_slice %arg3[%add3A, %dma_start3A, %dma_start3A_8] : memref<32x79x128xi32, #tpu.memory_space<hbm>> -> memref<1x79x128xi32, #tpu.memory_space<hbm>>
      %dma_start3A_10 = tpu.memref_squeeze %dma_start3A_9 : memref<1x79x128xi32, #tpu.memory_space<hbm>> -> memref<79x128xi32, #tpu.memory_space<hbm>>
      %dma_start3A_11 = arith.constant 0 : i32
      %dma_start3A_12 = arith.constant 0 : i32
      %dma_start3A_13 = tpu.memref_slice %arg3[%add3A, %dma_start3A_11, %dma_start3A_12] : memref<32x79x128xi32, #tpu.memory_space<hbm>> -> memref<1x79x128xi32, #tpu.memory_space<hbm>>
      %dma_start3A_14 = tpu.memref_squeeze %dma_start3A_13 : memref<1x79x128xi32, #tpu.memory_space<hbm>> -> memref<79x128xi32, #tpu.memory_space<hbm>>
      tpu.enqueue_dma source(%dma_start3A_14 : memref<79x128xi32, #tpu.memory_space<hbm>>) target(%arg7 : memref<79x128xi32, #tpu.memory_space<vmem>>) target_semaphore(%run_scoped3A : memref<!tpu.dma_semaphore, #tpu.memory_space<semaphore_mem>>)
      %dma_wait3A = arith.constant 0 : i32
      %dma_wait3A_15 = arith.constant 0 : i32
      %dma_wait3A_16 = tpu.memref_slice %arg3[%add3A, %dma_wait3A, %dma_wait3A_15] : memref<32x79x128xi32, #tpu.memory_space<hbm>> -> memref<1x79x128xi32, #tpu.memory_space<hbm>>
      %dma_wait3A_17 = tpu.memref_squeeze %dma_wait3A_16 : memref<1x79x128xi32, #tpu.memory_space<hbm>> -> memref<79x128xi32, #tpu.memory_space<hbm>>
      %dma_wait3A_18 = arith.constant 0 : i32
      %dma_wait3A_19 = arith.constant 0 : i32
      %dma_wait3A_20 = tpu.memref_slice %arg3[%add3A, %dma_wait3A_18, %dma_wait3A_19] : memref<32x79x128xi32, #tpu.memory_space<hbm>> -> memref<1x79x128xi32, #tpu.memory_space<hbm>>
      %dma_wait3A_21 = tpu.memref_squeeze %dma_wait3A_20 : memref<1x79x128xi32, #tpu.memory_space<hbm>> -> memref<79x128xi32, #tpu.memory_space<hbm>>
      tpu.wait_dma2 semaphore(%run_scoped3A : memref<!tpu.dma_semaphore, #tpu.memory_space<semaphore_mem>>) src(%dma_wait3A_21 : memref<79x128xi32, #tpu.memory_space<hbm>>) dst(%arg7 : memref<79x128xi32, #tpu.memory_space<vmem>>)
      tpu.yield
    }) : () -> ()
    "tpu.region"() ({
      %run_scoped3A = tpu.sem_alloc : memref<!tpu.dma_semaphore, #tpu.memory_space<semaphore_mem>>
      %dma_start3A = arith.constant 0 : i32
      %dma_start3A_8 = arith.constant 0 : i32
      %dma_start3A_9 = tpu.memref_slice %arg4[%add3A, %dma_start3A, %dma_start3A_8] : memref<32x79x128xi32, #tpu.memory_space<hbm>> -> memref<1x79x128xi32, #tpu.memory_space<hbm>>
      %dma_start3A_10 = tpu.memref_squeeze %dma_start3A_9 : memref<1x79x128xi32, #tpu.memory_space<hbm>> -> memref<79x128xi32, #tpu.memory_space<hbm>>
      %dma_start3A_11 = arith.constant 0 : i32
      %dma_start3A_12 = arith.constant 0 : i32
      %dma_start3A_13 = tpu.memref_slice %arg4[%add3A, %dma_start3A_11, %dma_start3A_12] : memref<32x79x128xi32, #tpu.memory_space<hbm>> -> memref<1x79x128xi32, #tpu.memory_space<hbm>>
      %dma_start3A_14 = tpu.memref_squeeze %dma_start3A_13 : memref<1x79x128xi32, #tpu.memory_space<hbm>> -> memref<79x128xi32, #tpu.memory_space<hbm>>
      tpu.enqueue_dma source(%dma_start3A_14 : memref<79x128xi32, #tpu.memory_space<hbm>>) target(%arg8 : memref<79x128xi32, #tpu.memory_space<vmem>>) target_semaphore(%run_scoped3A : memref<!tpu.dma_semaphore, #tpu.memory_space<semaphore_mem>>)
      %dma_wait3A = arith.constant 0 : i32
      %dma_wait3A_15 = arith.constant 0 : i32
      %dma_wait3A_16 = tpu.memref_slice %arg4[%add3A, %dma_wait3A, %dma_wait3A_15] : memref<32x79x128xi32, #tpu.memory_space<hbm>> -> memref<1x79x128xi32, #tpu.memory_space<hbm>>
      %dma_wait3A_17 = tpu.memref_squeeze %dma_wait3A_16 : memref<1x79x128xi32, #tpu.memory_space<hbm>> -> memref<79x128xi32, #tpu.memory_space<hbm>>
      %dma_wait3A_18 = arith.constant 0 : i32
      %dma_wait3A_19 = arith.constant 0 : i32
      %dma_wait3A_20 = tpu.memref_slice %arg4[%add3A, %dma_wait3A_18, %dma_wait3A_19] : memref<32x79x128xi32, #tpu.memory_space<hbm>> -> memref<1x79x128xi32, #tpu.memory_space<hbm>>
      %dma_wait3A_21 = tpu.memref_squeeze %dma_wait3A_20 : memref<1x79x128xi32, #tpu.memory_space<hbm>> -> memref<79x128xi32, #tpu.memory_space<hbm>>
      tpu.wait_dma2 semaphore(%run_scoped3A : memref<!tpu.dma_semaphore, #tpu.memory_space<semaphore_mem>>) src(%dma_wait3A_21 : memref<79x128xi32, #tpu.memory_space<hbm>>) dst(%arg8 : memref<79x128xi32, #tpu.memory_space<vmem>>)
      tpu.yield
    }) : () -> ()
    %mul3A_1 = arith.constant 632 : i32
    %mul3A_2 = arith.muli %arg1, %mul3A_1 : i32
    "tpu.region"() ({
      %run_scoped3A = tpu.sem_alloc : memref<!tpu.dma_semaphore, #tpu.memory_space<semaphore_mem>>
      %dma_start3A = arith.constant 0 : i32
      %dma_start3A_8 = tpu.memref_slice %arg10[%mul3A_2, %dma_start3A] : memref<10112x128xf32, #tpu.memory_space<vmem_shared>> -> memref<632x128xf32, #tpu.memory_space<vmem_shared>>
      %dma_start3A_9 = arith.constant 0 : i32
      %dma_start3A_10 = tpu.memref_slice %arg5[%mul3A_2, %dma_start3A_9] : memref<10112x128xf32, #tpu.memory_space<hbm>> -> memref<632x128xf32, #tpu.memory_space<hbm>>
      tpu.enqueue_dma source(%dma_start3A_10 : memref<632x128xf32, #tpu.memory_space<hbm>>) target(%dma_start3A_8 : memref<632x128xf32, #tpu.memory_space<vmem_shared>>) target_semaphore(%run_scoped3A : memref<!tpu.dma_semaphore, #tpu.memory_space<semaphore_mem>>)
      %dma_wait3A = arith.constant 0 : i32
      %dma_wait3A_11 = tpu.memref_slice %arg10[%mul3A_2, %dma_wait3A] : memref<10112x128xf32, #tpu.memory_space<vmem_shared>> -> memref<632x128xf32, #tpu.memory_space<vmem_shared>>
      %dma_wait3A_12 = arith.constant 0 : i32
      %dma_wait3A_13 = tpu.memref_slice %arg5[%mul3A_2, %dma_wait3A_12] : memref<10112x128xf32, #tpu.memory_space<hbm>> -> memref<632x128xf32, #tpu.memory_space<hbm>>
      tpu.wait_dma2 semaphore(%run_scoped3A : memref<!tpu.dma_semaphore, #tpu.memory_space<semaphore_mem>>) src(%dma_wait3A_13 : memref<632x128xf32, #tpu.memory_space<hbm>>) dst(%dma_wait3A_11 : memref<632x128xf32, #tpu.memory_space<vmem_shared>>)
      tpu.yield
    }) : () -> ()
    %barrier3A = arith.constant 0 : index
    tpu.barrier barrier_id(%barrier3A)
    %scan3A = arith.constant 0 : i32
    %scan3A_3 = arith.constant 79 : i32
    %scan3A_4 = arith.addi %scan3A, %scan3A_3 : i32
    %scan3A_5 = arith.constant 1 : i32
    scf.for %scan3A_8 = %scan3A to %scan3A_4 step %scan3A_5  : i32 {
      %mul3A_9 = arith.constant 1 : i32
      %mul3A_10 = arith.muli %scan3A_8, %mul3A_9 : i32
      %add3A_11 = arith.constant 0 : i32
      %add3A_12 = arith.addi %add3A_11, %mul3A_10 : i32
      %dma_start3A = arith.constant 0 : i32
      %dma_start3A_13 = tpu.memref_slice %arg7[%add3A_12, %dma_start3A] : memref<79x128xi32, #tpu.memory_space<vmem>> -> memref<1x128xi32, #tpu.memory_space<vmem>>
      %dma_start3A_14 = tpu.memref_squeeze %dma_start3A_13 : memref<1x128xi32, #tpu.memory_space<vmem>> -> memref<128xi32, #tpu.memory_space<vmem>>
      %dma_start3A_15 = arith.constant 0 : i32
      %dma_start3A_16 = arith.constant 0 : i32
      %dma_start3A_17 = tpu.memref_slice %arg2[%dma_start3A_15, %dma_start3A_16] : memref<40000x128xf32, #tpu.memory_space<hbm>> -> memref<40000x128xf32, #tpu.memory_space<hbm>>
      tpu.enqueue_indirect_dma source(%dma_start3A_17 : memref<40000x128xf32, #tpu.memory_space<hbm>>) target(%arg9 : memref<128x128xf32, #tpu.memory_space<vmem>>) offsets(%dma_start3A_14 : memref<128xi32, #tpu.memory_space<vmem>>) semaphore(%arg11 : memref<!tpu.dma_semaphore, #tpu.memory_space<semaphore_mem>>)
      %dma_wait3A = arith.constant 0 : i32
      %dma_wait3A_18 = tpu.memref_slice %arg7[%add3A_12, %dma_wait3A] : memref<79x128xi32, #tpu.memory_space<vmem>> -> memref<1x128xi32, #tpu.memory_space<vmem>>
      %dma_wait3A_19 = tpu.memref_squeeze %dma_wait3A_18 : memref<1x128xi32, #tpu.memory_space<vmem>> -> memref<128xi32, #tpu.memory_space<vmem>>
      %dma_wait3A_20 = arith.constant 0 : i32
      %dma_wait3A_21 = arith.constant 0 : i32
      %dma_wait3A_22 = tpu.memref_slice %arg2[%dma_wait3A_20, %dma_wait3A_21] : memref<40000x128xf32, #tpu.memory_space<hbm>> -> memref<40000x128xf32, #tpu.memory_space<hbm>>
      tpu.wait_indirect_dma semaphore(%arg11 : memref<!tpu.dma_semaphore, #tpu.memory_space<semaphore_mem>>) src(%dma_wait3A_22 : memref<40000x128xf32, #tpu.memory_space<hbm>>) dst(%arg9 : memref<128x128xf32, #tpu.memory_space<vmem>>)
      "tpu.region"() ({
        %run_scoped3A = tpu.sem_alloc : memref<!tpu.dma_semaphore, #tpu.memory_space<semaphore_mem>>
        %dma_start3A_23 = arith.constant 0 : i32
        %dma_start3A_24 = tpu.memref_slice %arg8[%add3A_12, %dma_start3A_23] : memref<79x128xi32, #tpu.memory_space<vmem>> -> memref<1x128xi32, #tpu.memory_space<vmem>>
        %dma_start3A_25 = tpu.memref_squeeze %dma_start3A_24 : memref<1x128xi32, #tpu.memory_space<vmem>> -> memref<128xi32, #tpu.memory_space<vmem>>
        %dma_start3A_26 = arith.constant 0 : i32
        %dma_start3A_27 = arith.constant 0 : i32
        %dma_start3A_28 = tpu.memref_slice %arg10[%dma_start3A_26, %dma_start3A_27] : memref<10112x128xf32, #tpu.memory_space<vmem_shared>> -> memref<10112x128xf32, #tpu.memory_space<vmem_shared>>
        tpu.enqueue_indirect_dma source(%arg9 : memref<128x128xf32, #tpu.memory_space<vmem>>) target(%dma_start3A_28 : memref<10112x128xf32, #tpu.memory_space<vmem_shared>>) offsets(%dma_start3A_25 : memref<128xi32, #tpu.memory_space<vmem>>) semaphore(%run_scoped3A : memref<!tpu.dma_semaphore, #tpu.memory_space<semaphore_mem>>) {add = true}
        %dma_wait3A_29 = arith.constant 0 : i32
        %dma_wait3A_30 = tpu.memref_slice %arg8[%add3A_12, %dma_wait3A_29] : memref<79x128xi32, #tpu.memory_space<vmem>> -> memref<1x128xi32, #tpu.memory_space<vmem>>
        %dma_wait3A_31 = tpu.memref_squeeze %dma_wait3A_30 : memref<1x128xi32, #tpu.memory_space<vmem>> -> memref<128xi32, #tpu.memory_space<vmem>>
        %dma_wait3A_32 = arith.constant 0 : i32
        %dma_wait3A_33 = arith.constant 0 : i32
        %dma_wait3A_34 = tpu.memref_slice %arg10[%dma_wait3A_32, %dma_wait3A_33] : memref<10112x128xf32, #tpu.memory_space<vmem_shared>> -> memref<10112x128xf32, #tpu.memory_space<vmem_shared>>
        tpu.wait_indirect_dma semaphore(%run_scoped3A : memref<!tpu.dma_semaphore, #tpu.memory_space<semaphore_mem>>) src(%arg9 : memref<128x128xf32, #tpu.memory_space<vmem>>) dst(%dma_wait3A_34 : memref<10112x128xf32, #tpu.memory_space<vmem_shared>>)
        tpu.yield
      }) : () -> ()
    }
    %scan3A_6 = arith.constant 79 : i32
    %barrier3A_7 = arith.constant 0 : index
    tpu.barrier barrier_id(%barrier3A_7)
    "tpu.region"() ({
      %run_scoped3A = tpu.sem_alloc : memref<!tpu.dma_semaphore, #tpu.memory_space<semaphore_mem>>
      %dma_start3A = arith.constant 0 : i32
      %dma_start3A_8 = tpu.memref_slice %arg6[%arg0, %mul3A_2, %dma_start3A] : memref<2x10112x128xf32, #tpu.memory_space<hbm>> -> memref<1x632x128xf32, #tpu.memory_space<hbm>>
      %dma_start3A_9 = tpu.memref_squeeze %dma_start3A_8 : memref<1x632x128xf32, #tpu.memory_space<hbm>> -> memref<632x128xf32, #tpu.memory_space<hbm>>
      %dma_start3A_10 = arith.constant 0 : i32
      %dma_start3A_11 = tpu.memref_slice %arg10[%mul3A_2, %dma_start3A_10] : memref<10112x128xf32, #tpu.memory_space<vmem_shared>> -> memref<632x128xf32, #tpu.memory_space<vmem_shared>>
      tpu.enqueue_dma source(%dma_start3A_11 : memref<632x128xf32, #tpu.memory_space<vmem_shared>>) target(%dma_start3A_9 : memref<632x128xf32, #tpu.memory_space<hbm>>) target_semaphore(%run_scoped3A : memref<!tpu.dma_semaphore, #tpu.memory_space<semaphore_mem>>)
      %dma_wait3A = arith.constant 0 : i32
      %dma_wait3A_12 = tpu.memref_slice %arg6[%arg0, %mul3A_2, %dma_wait3A] : memref<2x10112x128xf32, #tpu.memory_space<hbm>> -> memref<1x632x128xf32, #tpu.memory_space<hbm>>
      %dma_wait3A_13 = tpu.memref_squeeze %dma_wait3A_12 : memref<1x632x128xf32, #tpu.memory_space<hbm>> -> memref<632x128xf32, #tpu.memory_space<hbm>>
      %dma_wait3A_14 = arith.constant 0 : i32
      %dma_wait3A_15 = tpu.memref_slice %arg10[%mul3A_2, %dma_wait3A_14] : memref<10112x128xf32, #tpu.memory_space<vmem_shared>> -> memref<632x128xf32, #tpu.memory_space<vmem_shared>>
      tpu.wait_dma2 semaphore(%run_scoped3A : memref<!tpu.dma_semaphore, #tpu.memory_space<semaphore_mem>>) src(%dma_wait3A_15 : memref<632x128xf32, #tpu.memory_space<vmem_shared>>) dst(%dma_wait3A_13 : memref<632x128xf32, #tpu.memory_space<hbm>>)
      tpu.yield
    }) : () -> ()
    return
  }
}

#map = affine_map<(d0, d1) -> (0, 0)>
#map1 = affine_map<(d0, d1) -> (0, 0, 0)>
module attributes {stable_mosaic.version = 14 : i64} {
  func.func @_sc_agg_body(%arg0: i32, %arg1: i32, %arg2: memref<40000x128xf32, #tpu.memory_space<hbm>>, %arg3: memref<32x79x128xi32, #tpu.memory_space<hbm>>, %arg4: memref<32x79x128xi32, #tpu.memory_space<hbm>>, %arg5: memref<10112x128xf32, #tpu.memory_space<hbm>>, %arg6: memref<2x10112x128xf32, #tpu.memory_space<hbm>>, %arg7: memref<79x128xi32, #tpu.memory_space<vmem>>, %arg8: memref<79x128xi32, #tpu.memory_space<vmem>>, %arg9: memref<128x128xf32, #tpu.memory_space<vmem>>, %arg10: memref<10112x128xf32, #tpu.memory_space<vmem_shared>>, %arg11: memref<!tpu.dma_semaphore, #tpu.memory_space<semaphore_mem>>) attributes {dimension_semantics = [#tpu.dimension_semantics<core_parallel>, #tpu.dimension_semantics<subcore_parallel>], iteration_bounds = array<i64: 2, 16>, scalar_prefetch = 0 : i64, scratch_operands = 5 : i64, tpu.core_type = #tpu.core_type<sc_vector_subcore>, window_params = [{transform_indices = #map}, {transform_indices = #map1}, {transform_indices = #map1}, {transform_indices = #map}, {transform_indices = #map1}]} {
    %mul3A = arith.constant 16 : i32
    %mul3A_0 = arith.muli %arg0, %mul3A : i32
    %add3A = arith.addi %mul3A_0, %arg1 : i32
    "tpu.region"() ({
      %run_scoped3A = tpu.sem_alloc : memref<!tpu.dma_semaphore, #tpu.memory_space<semaphore_mem>>
      %dma_start3A = arith.constant 0 : i32
      %dma_start3A_8 = arith.constant 0 : i32
      %dma_start3A_9 = tpu.memref_slice %arg3[%add3A, %dma_start3A, %dma_start3A_8] : memref<32x79x128xi32, #tpu.memory_space<hbm>> -> memref<1x79x128xi32, #tpu.memory_space<hbm>>
      %dma_start3A_10 = tpu.memref_squeeze %dma_start3A_9 : memref<1x79x128xi32, #tpu.memory_space<hbm>> -> memref<79x128xi32, #tpu.memory_space<hbm>>
      %dma_start3A_11 = arith.constant 0 : i32
      %dma_start3A_12 = arith.constant 0 : i32
      %dma_start3A_13 = tpu.memref_slice %arg3[%add3A, %dma_start3A_11, %dma_start3A_12] : memref<32x79x128xi32, #tpu.memory_space<hbm>> -> memref<1x79x128xi32, #tpu.memory_space<hbm>>
      %dma_start3A_14 = tpu.memref_squeeze %dma_start3A_13 : memref<1x79x128xi32, #tpu.memory_space<hbm>> -> memref<79x128xi32, #tpu.memory_space<hbm>>
      tpu.enqueue_dma source(%dma_start3A_14 : memref<79x128xi32, #tpu.memory_space<hbm>>) target(%arg7 : memref<79x128xi32, #tpu.memory_space<vmem>>) target_semaphore(%run_scoped3A : memref<!tpu.dma_semaphore, #tpu.memory_space<semaphore_mem>>)
      %dma_wait3A = arith.constant 0 : i32
      %dma_wait3A_15 = arith.constant 0 : i32
      %dma_wait3A_16 = tpu.memref_slice %arg3[%add3A, %dma_wait3A, %dma_wait3A_15] : memref<32x79x128xi32, #tpu.memory_space<hbm>> -> memref<1x79x128xi32, #tpu.memory_space<hbm>>
      %dma_wait3A_17 = tpu.memref_squeeze %dma_wait3A_16 : memref<1x79x128xi32, #tpu.memory_space<hbm>> -> memref<79x128xi32, #tpu.memory_space<hbm>>
      %dma_wait3A_18 = arith.constant 0 : i32
      %dma_wait3A_19 = arith.constant 0 : i32
      %dma_wait3A_20 = tpu.memref_slice %arg3[%add3A, %dma_wait3A_18, %dma_wait3A_19] : memref<32x79x128xi32, #tpu.memory_space<hbm>> -> memref<1x79x128xi32, #tpu.memory_space<hbm>>
      %dma_wait3A_21 = tpu.memref_squeeze %dma_wait3A_20 : memref<1x79x128xi32, #tpu.memory_space<hbm>> -> memref<79x128xi32, #tpu.memory_space<hbm>>
      tpu.wait_dma2 semaphore(%run_scoped3A : memref<!tpu.dma_semaphore, #tpu.memory_space<semaphore_mem>>) src(%dma_wait3A_21 : memref<79x128xi32, #tpu.memory_space<hbm>>) dst(%arg7 : memref<79x128xi32, #tpu.memory_space<vmem>>)
      tpu.yield
    }) : () -> ()
    "tpu.region"() ({
      %run_scoped3A = tpu.sem_alloc : memref<!tpu.dma_semaphore, #tpu.memory_space<semaphore_mem>>
      %dma_start3A = arith.constant 0 : i32
      %dma_start3A_8 = arith.constant 0 : i32
      %dma_start3A_9 = tpu.memref_slice %arg4[%add3A, %dma_start3A, %dma_start3A_8] : memref<32x79x128xi32, #tpu.memory_space<hbm>> -> memref<1x79x128xi32, #tpu.memory_space<hbm>>
      %dma_start3A_10 = tpu.memref_squeeze %dma_start3A_9 : memref<1x79x128xi32, #tpu.memory_space<hbm>> -> memref<79x128xi32, #tpu.memory_space<hbm>>
      %dma_start3A_11 = arith.constant 0 : i32
      %dma_start3A_12 = arith.constant 0 : i32
      %dma_start3A_13 = tpu.memref_slice %arg4[%add3A, %dma_start3A_11, %dma_start3A_12] : memref<32x79x128xi32, #tpu.memory_space<hbm>> -> memref<1x79x128xi32, #tpu.memory_space<hbm>>
      %dma_start3A_14 = tpu.memref_squeeze %dma_start3A_13 : memref<1x79x128xi32, #tpu.memory_space<hbm>> -> memref<79x128xi32, #tpu.memory_space<hbm>>
      tpu.enqueue_dma source(%dma_start3A_14 : memref<79x128xi32, #tpu.memory_space<hbm>>) target(%arg8 : memref<79x128xi32, #tpu.memory_space<vmem>>) target_semaphore(%run_scoped3A : memref<!tpu.dma_semaphore, #tpu.memory_space<semaphore_mem>>)
      %dma_wait3A = arith.constant 0 : i32
      %dma_wait3A_15 = arith.constant 0 : i32
      %dma_wait3A_16 = tpu.memref_slice %arg4[%add3A, %dma_wait3A, %dma_wait3A_15] : memref<32x79x128xi32, #tpu.memory_space<hbm>> -> memref<1x79x128xi32, #tpu.memory_space<hbm>>
      %dma_wait3A_17 = tpu.memref_squeeze %dma_wait3A_16 : memref<1x79x128xi32, #tpu.memory_space<hbm>> -> memref<79x128xi32, #tpu.memory_space<hbm>>
      %dma_wait3A_18 = arith.constant 0 : i32
      %dma_wait3A_19 = arith.constant 0 : i32
      %dma_wait3A_20 = tpu.memref_slice %arg4[%add3A, %dma_wait3A_18, %dma_wait3A_19] : memref<32x79x128xi32, #tpu.memory_space<hbm>> -> memref<1x79x128xi32, #tpu.memory_space<hbm>>
      %dma_wait3A_21 = tpu.memref_squeeze %dma_wait3A_20 : memref<1x79x128xi32, #tpu.memory_space<hbm>> -> memref<79x128xi32, #tpu.memory_space<hbm>>
      tpu.wait_dma2 semaphore(%run_scoped3A : memref<!tpu.dma_semaphore, #tpu.memory_space<semaphore_mem>>) src(%dma_wait3A_21 : memref<79x128xi32, #tpu.memory_space<hbm>>) dst(%arg8 : memref<79x128xi32, #tpu.memory_space<vmem>>)
      tpu.yield
    }) : () -> ()
    %mul3A_1 = arith.constant 632 : i32
    %mul3A_2 = arith.muli %arg1, %mul3A_1 : i32
    "tpu.region"() ({
      %run_scoped3A = tpu.sem_alloc : memref<!tpu.dma_semaphore, #tpu.memory_space<semaphore_mem>>
      %dma_start3A = arith.constant 0 : i32
      %dma_start3A_8 = tpu.memref_slice %arg10[%mul3A_2, %dma_start3A] : memref<10112x128xf32, #tpu.memory_space<vmem_shared>> -> memref<632x128xf32, #tpu.memory_space<vmem_shared>>
      %dma_start3A_9 = arith.constant 0 : i32
      %dma_start3A_10 = tpu.memref_slice %arg5[%mul3A_2, %dma_start3A_9] : memref<10112x128xf32, #tpu.memory_space<hbm>> -> memref<632x128xf32, #tpu.memory_space<hbm>>
      tpu.enqueue_dma source(%dma_start3A_10 : memref<632x128xf32, #tpu.memory_space<hbm>>) target(%dma_start3A_8 : memref<632x128xf32, #tpu.memory_space<vmem_shared>>) target_semaphore(%run_scoped3A : memref<!tpu.dma_semaphore, #tpu.memory_space<semaphore_mem>>)
      %dma_wait3A = arith.constant 0 : i32
      %dma_wait3A_11 = tpu.memref_slice %arg10[%mul3A_2, %dma_wait3A] : memref<10112x128xf32, #tpu.memory_space<vmem_shared>> -> memref<632x128xf32, #tpu.memory_space<vmem_shared>>
      %dma_wait3A_12 = arith.constant 0 : i32
      %dma_wait3A_13 = tpu.memref_slice %arg5[%mul3A_2, %dma_wait3A_12] : memref<10112x128xf32, #tpu.memory_space<hbm>> -> memref<632x128xf32, #tpu.memory_space<hbm>>
      tpu.wait_dma2 semaphore(%run_scoped3A : memref<!tpu.dma_semaphore, #tpu.memory_space<semaphore_mem>>) src(%dma_wait3A_13 : memref<632x128xf32, #tpu.memory_space<hbm>>) dst(%dma_wait3A_11 : memref<632x128xf32, #tpu.memory_space<vmem_shared>>)
      tpu.yield
    }) : () -> ()
    %barrier3A = arith.constant 0 : index
    tpu.barrier barrier_id(%barrier3A)
    %scan3A = arith.constant 0 : i32
    %scan3A_3 = arith.constant 79 : i32
    %scan3A_4 = arith.addi %scan3A, %scan3A_3 : i32
    %scan3A_5 = arith.constant 1 : i32
    scf.for %scan3A_8 = %scan3A to %scan3A_4 step %scan3A_5  : i32 {
      %mul3A_9 = arith.constant 1 : i32
      %mul3A_10 = arith.muli %scan3A_8, %mul3A_9 : i32
      %add3A_11 = arith.constant 0 : i32
      %add3A_12 = arith.addi %add3A_11, %mul3A_10 : i32
      %dma_start3A = arith.constant 0 : i32
      %dma_start3A_13 = tpu.memref_slice %arg7[%add3A_12, %dma_start3A] : memref<79x128xi32, #tpu.memory_space<vmem>> -> memref<1x128xi32, #tpu.memory_space<vmem>>
      %dma_start3A_14 = tpu.memref_squeeze %dma_start3A_13 : memref<1x128xi32, #tpu.memory_space<vmem>> -> memref<128xi32, #tpu.memory_space<vmem>>
      %dma_start3A_15 = arith.constant 0 : i32
      %dma_start3A_16 = arith.constant 0 : i32
      %dma_start3A_17 = tpu.memref_slice %arg2[%dma_start3A_15, %dma_start3A_16] : memref<40000x128xf32, #tpu.memory_space<hbm>> -> memref<40000x128xf32, #tpu.memory_space<hbm>>
      tpu.enqueue_indirect_dma source(%dma_start3A_17 : memref<40000x128xf32, #tpu.memory_space<hbm>>) target(%arg9 : memref<128x128xf32, #tpu.memory_space<vmem>>) offsets(%dma_start3A_14 : memref<128xi32, #tpu.memory_space<vmem>>) semaphore(%arg11 : memref<!tpu.dma_semaphore, #tpu.memory_space<semaphore_mem>>)
      %dma_wait3A = arith.constant 0 : i32
      %dma_wait3A_18 = tpu.memref_slice %arg7[%add3A_12, %dma_wait3A] : memref<79x128xi32, #tpu.memory_space<vmem>> -> memref<1x128xi32, #tpu.memory_space<vmem>>
      %dma_wait3A_19 = tpu.memref_squeeze %dma_wait3A_18 : memref<1x128xi32, #tpu.memory_space<vmem>> -> memref<128xi32, #tpu.memory_space<vmem>>
      %dma_wait3A_20 = arith.constant 0 : i32
      %dma_wait3A_21 = arith.constant 0 : i32
      %dma_wait3A_22 = tpu.memref_slice %arg2[%dma_wait3A_20, %dma_wait3A_21] : memref<40000x128xf32, #tpu.memory_space<hbm>> -> memref<40000x128xf32, #tpu.memory_space<hbm>>
      tpu.wait_indirect_dma semaphore(%arg11 : memref<!tpu.dma_semaphore, #tpu.memory_space<semaphore_mem>>) src(%dma_wait3A_22 : memref<40000x128xf32, #tpu.memory_space<hbm>>) dst(%arg9 : memref<128x128xf32, #tpu.memory_space<vmem>>)
      "tpu.region"() ({
        %run_scoped3A = tpu.sem_alloc : memref<!tpu.dma_semaphore, #tpu.memory_space<semaphore_mem>>
        %dma_start3A_23 = arith.constant 0 : i32
        %dma_start3A_24 = tpu.memref_slice %arg8[%add3A_12, %dma_start3A_23] : memref<79x128xi32, #tpu.memory_space<vmem>> -> memref<1x128xi32, #tpu.memory_space<vmem>>
        %dma_start3A_25 = tpu.memref_squeeze %dma_start3A_24 : memref<1x128xi32, #tpu.memory_space<vmem>> -> memref<128xi32, #tpu.memory_space<vmem>>
        %dma_start3A_26 = arith.constant 0 : i32
        %dma_start3A_27 = arith.constant 0 : i32
        %dma_start3A_28 = tpu.memref_slice %arg10[%dma_start3A_26, %dma_start3A_27] : memref<10112x128xf32, #tpu.memory_space<vmem_shared>> -> memref<10112x128xf32, #tpu.memory_space<vmem_shared>>
        tpu.enqueue_indirect_dma source(%arg9 : memref<128x128xf32, #tpu.memory_space<vmem>>) target(%dma_start3A_28 : memref<10112x128xf32, #tpu.memory_space<vmem_shared>>) offsets(%dma_start3A_25 : memref<128xi32, #tpu.memory_space<vmem>>) semaphore(%run_scoped3A : memref<!tpu.dma_semaphore, #tpu.memory_space<semaphore_mem>>) {add = true}
        %dma_wait3A_29 = arith.constant 0 : i32
        %dma_wait3A_30 = tpu.memref_slice %arg8[%add3A_12, %dma_wait3A_29] : memref<79x128xi32, #tpu.memory_space<vmem>> -> memref<1x128xi32, #tpu.memory_space<vmem>>
        %dma_wait3A_31 = tpu.memref_squeeze %dma_wait3A_30 : memref<1x128xi32, #tpu.memory_space<vmem>> -> memref<128xi32, #tpu.memory_space<vmem>>
        %dma_wait3A_32 = arith.constant 0 : i32
        %dma_wait3A_33 = arith.constant 0 : i32
        %dma_wait3A_34 = tpu.memref_slice %arg10[%dma_wait3A_32, %dma_wait3A_33] : memref<10112x128xf32, #tpu.memory_space<vmem_shared>> -> memref<10112x128xf32, #tpu.memory_space<vmem_shared>>
        tpu.wait_indirect_dma semaphore(%run_scoped3A : memref<!tpu.dma_semaphore, #tpu.memory_space<semaphore_mem>>) src(%arg9 : memref<128x128xf32, #tpu.memory_space<vmem>>) dst(%dma_wait3A_34 : memref<10112x128xf32, #tpu.memory_space<vmem_shared>>)
        tpu.yield
      }) : () -> ()
    }
    %scan3A_6 = arith.constant 79 : i32
    %barrier3A_7 = arith.constant 0 : index
    tpu.barrier barrier_id(%barrier3A_7)
    "tpu.region"() ({
      %run_scoped3A = tpu.sem_alloc : memref<!tpu.dma_semaphore, #tpu.memory_space<semaphore_mem>>
      %dma_start3A = arith.constant 0 : i32
      %dma_start3A_8 = tpu.memref_slice %arg6[%arg0, %mul3A_2, %dma_start3A] : memref<2x10112x128xf32, #tpu.memory_space<hbm>> -> memref<1x632x128xf32, #tpu.memory_space<hbm>>
      %dma_start3A_9 = tpu.memref_squeeze %dma_start3A_8 : memref<1x632x128xf32, #tpu.memory_space<hbm>> -> memref<632x128xf32, #tpu.memory_space<hbm>>
      %dma_start3A_10 = arith.constant 0 : i32
      %dma_start3A_11 = tpu.memref_slice %arg10[%mul3A_2, %dma_start3A_10] : memref<10112x128xf32, #tpu.memory_space<vmem_shared>> -> memref<632x128xf32, #tpu.memory_space<vmem_shared>>
      tpu.enqueue_dma source(%dma_start3A_11 : memref<632x128xf32, #tpu.memory_space<vmem_shared>>) target(%dma_start3A_9 : memref<632x128xf32, #tpu.memory_space<hbm>>) target_semaphore(%run_scoped3A : memref<!tpu.dma_semaphore, #tpu.memory_space<semaphore_mem>>)
      %dma_wait3A = arith.constant 0 : i32
      %dma_wait3A_12 = tpu.memref_slice %arg6[%arg0, %mul3A_2, %dma_wait3A] : memref<2x10112x128xf32, #tpu.memory_space<hbm>> -> memref<1x632x128xf32, #tpu.memory_space<hbm>>
      %dma_wait3A_13 = tpu.memref_squeeze %dma_wait3A_12 : memref<1x632x128xf32, #tpu.memory_space<hbm>> -> memref<632x128xf32, #tpu.memory_space<hbm>>
      %dma_wait3A_14 = arith.constant 0 : i32
      %dma_wait3A_15 = tpu.memref_slice %arg10[%mul3A_2, %dma_wait3A_14] : memref<10112x128xf32, #tpu.memory_space<vmem_shared>> -> memref<632x128xf32, #tpu.memory_space<vmem_shared>>
      tpu.wait_dma2 semaphore(%run_scoped3A : memref<!tpu.dma_semaphore, #tpu.memory_space<semaphore_mem>>) src(%dma_wait3A_15 : memref<632x128xf32, #tpu.memory_space<vmem_shared>>) dst(%dma_wait3A_13 : memref<632x128xf32, #tpu.memory_space<hbm>>)
      tpu.yield
    }) : () -> ()
    return
  }
}

#map = affine_map<(d0, d1) -> (0, 0)>
#map1 = affine_map<(d0, d1) -> (0, 0, 0)>
module attributes {stable_mosaic.version = 14 : i64} {
  func.func @_sc_agg_body(%arg0: i32, %arg1: i32, %arg2: memref<40000x128xf32, #tpu.memory_space<hbm>>, %arg3: memref<32x79x128xi32, #tpu.memory_space<hbm>>, %arg4: memref<32x79x128xi32, #tpu.memory_space<hbm>>, %arg5: memref<10112x128xf32, #tpu.memory_space<hbm>>, %arg6: memref<2x10112x128xf32, #tpu.memory_space<hbm>>, %arg7: memref<79x128xi32, #tpu.memory_space<vmem>>, %arg8: memref<79x128xi32, #tpu.memory_space<vmem>>, %arg9: memref<128x128xf32, #tpu.memory_space<vmem>>, %arg10: memref<10112x128xf32, #tpu.memory_space<vmem_shared>>, %arg11: memref<!tpu.dma_semaphore, #tpu.memory_space<semaphore_mem>>) attributes {dimension_semantics = [#tpu.dimension_semantics<core_parallel>, #tpu.dimension_semantics<subcore_parallel>], iteration_bounds = array<i64: 2, 16>, scalar_prefetch = 0 : i64, scratch_operands = 5 : i64, tpu.core_type = #tpu.core_type<sc_vector_subcore>, window_params = [{transform_indices = #map}, {transform_indices = #map1}, {transform_indices = #map1}, {transform_indices = #map}, {transform_indices = #map1}]} {
    %mul3A = arith.constant 16 : i32
    %mul3A_0 = arith.muli %arg0, %mul3A : i32
    %add3A = arith.addi %mul3A_0, %arg1 : i32
    "tpu.region"() ({
      %run_scoped3A = tpu.sem_alloc : memref<!tpu.dma_semaphore, #tpu.memory_space<semaphore_mem>>
      %dma_start3A = arith.constant 0 : i32
      %dma_start3A_8 = arith.constant 0 : i32
      %dma_start3A_9 = tpu.memref_slice %arg3[%add3A, %dma_start3A, %dma_start3A_8] : memref<32x79x128xi32, #tpu.memory_space<hbm>> -> memref<1x79x128xi32, #tpu.memory_space<hbm>>
      %dma_start3A_10 = tpu.memref_squeeze %dma_start3A_9 : memref<1x79x128xi32, #tpu.memory_space<hbm>> -> memref<79x128xi32, #tpu.memory_space<hbm>>
      %dma_start3A_11 = arith.constant 0 : i32
      %dma_start3A_12 = arith.constant 0 : i32
      %dma_start3A_13 = tpu.memref_slice %arg3[%add3A, %dma_start3A_11, %dma_start3A_12] : memref<32x79x128xi32, #tpu.memory_space<hbm>> -> memref<1x79x128xi32, #tpu.memory_space<hbm>>
      %dma_start3A_14 = tpu.memref_squeeze %dma_start3A_13 : memref<1x79x128xi32, #tpu.memory_space<hbm>> -> memref<79x128xi32, #tpu.memory_space<hbm>>
      tpu.enqueue_dma source(%dma_start3A_14 : memref<79x128xi32, #tpu.memory_space<hbm>>) target(%arg7 : memref<79x128xi32, #tpu.memory_space<vmem>>) target_semaphore(%run_scoped3A : memref<!tpu.dma_semaphore, #tpu.memory_space<semaphore_mem>>)
      %dma_wait3A = arith.constant 0 : i32
      %dma_wait3A_15 = arith.constant 0 : i32
      %dma_wait3A_16 = tpu.memref_slice %arg3[%add3A, %dma_wait3A, %dma_wait3A_15] : memref<32x79x128xi32, #tpu.memory_space<hbm>> -> memref<1x79x128xi32, #tpu.memory_space<hbm>>
      %dma_wait3A_17 = tpu.memref_squeeze %dma_wait3A_16 : memref<1x79x128xi32, #tpu.memory_space<hbm>> -> memref<79x128xi32, #tpu.memory_space<hbm>>
      %dma_wait3A_18 = arith.constant 0 : i32
      %dma_wait3A_19 = arith.constant 0 : i32
      %dma_wait3A_20 = tpu.memref_slice %arg3[%add3A, %dma_wait3A_18, %dma_wait3A_19] : memref<32x79x128xi32, #tpu.memory_space<hbm>> -> memref<1x79x128xi32, #tpu.memory_space<hbm>>
      %dma_wait3A_21 = tpu.memref_squeeze %dma_wait3A_20 : memref<1x79x128xi32, #tpu.memory_space<hbm>> -> memref<79x128xi32, #tpu.memory_space<hbm>>
      tpu.wait_dma2 semaphore(%run_scoped3A : memref<!tpu.dma_semaphore, #tpu.memory_space<semaphore_mem>>) src(%dma_wait3A_21 : memref<79x128xi32, #tpu.memory_space<hbm>>) dst(%arg7 : memref<79x128xi32, #tpu.memory_space<vmem>>)
      tpu.yield
    }) : () -> ()
    "tpu.region"() ({
      %run_scoped3A = tpu.sem_alloc : memref<!tpu.dma_semaphore, #tpu.memory_space<semaphore_mem>>
      %dma_start3A = arith.constant 0 : i32
      %dma_start3A_8 = arith.constant 0 : i32
      %dma_start3A_9 = tpu.memref_slice %arg4[%add3A, %dma_start3A, %dma_start3A_8] : memref<32x79x128xi32, #tpu.memory_space<hbm>> -> memref<1x79x128xi32, #tpu.memory_space<hbm>>
      %dma_start3A_10 = tpu.memref_squeeze %dma_start3A_9 : memref<1x79x128xi32, #tpu.memory_space<hbm>> -> memref<79x128xi32, #tpu.memory_space<hbm>>
      %dma_start3A_11 = arith.constant 0 : i32
      %dma_start3A_12 = arith.constant 0 : i32
      %dma_start3A_13 = tpu.memref_slice %arg4[%add3A, %dma_start3A_11, %dma_start3A_12] : memref<32x79x128xi32, #tpu.memory_space<hbm>> -> memref<1x79x128xi32, #tpu.memory_space<hbm>>
      %dma_start3A_14 = tpu.memref_squeeze %dma_start3A_13 : memref<1x79x128xi32, #tpu.memory_space<hbm>> -> memref<79x128xi32, #tpu.memory_space<hbm>>
      tpu.enqueue_dma source(%dma_start3A_14 : memref<79x128xi32, #tpu.memory_space<hbm>>) target(%arg8 : memref<79x128xi32, #tpu.memory_space<vmem>>) target_semaphore(%run_scoped3A : memref<!tpu.dma_semaphore, #tpu.memory_space<semaphore_mem>>)
      %dma_wait3A = arith.constant 0 : i32
      %dma_wait3A_15 = arith.constant 0 : i32
      %dma_wait3A_16 = tpu.memref_slice %arg4[%add3A, %dma_wait3A, %dma_wait3A_15] : memref<32x79x128xi32, #tpu.memory_space<hbm>> -> memref<1x79x128xi32, #tpu.memory_space<hbm>>
      %dma_wait3A_17 = tpu.memref_squeeze %dma_wait3A_16 : memref<1x79x128xi32, #tpu.memory_space<hbm>> -> memref<79x128xi32, #tpu.memory_space<hbm>>
      %dma_wait3A_18 = arith.constant 0 : i32
      %dma_wait3A_19 = arith.constant 0 : i32
      %dma_wait3A_20 = tpu.memref_slice %arg4[%add3A, %dma_wait3A_18, %dma_wait3A_19] : memref<32x79x128xi32, #tpu.memory_space<hbm>> -> memref<1x79x128xi32, #tpu.memory_space<hbm>>
      %dma_wait3A_21 = tpu.memref_squeeze %dma_wait3A_20 : memref<1x79x128xi32, #tpu.memory_space<hbm>> -> memref<79x128xi32, #tpu.memory_space<hbm>>
      tpu.wait_dma2 semaphore(%run_scoped3A : memref<!tpu.dma_semaphore, #tpu.memory_space<semaphore_mem>>) src(%dma_wait3A_21 : memref<79x128xi32, #tpu.memory_space<hbm>>) dst(%arg8 : memref<79x128xi32, #tpu.memory_space<vmem>>)
      tpu.yield
    }) : () -> ()
    %mul3A_1 = arith.constant 632 : i32
    %mul3A_2 = arith.muli %arg1, %mul3A_1 : i32
    "tpu.region"() ({
      %run_scoped3A = tpu.sem_alloc : memref<!tpu.dma_semaphore, #tpu.memory_space<semaphore_mem>>
      %dma_start3A = arith.constant 0 : i32
      %dma_start3A_8 = tpu.memref_slice %arg10[%mul3A_2, %dma_start3A] : memref<10112x128xf32, #tpu.memory_space<vmem_shared>> -> memref<632x128xf32, #tpu.memory_space<vmem_shared>>
      %dma_start3A_9 = arith.constant 0 : i32
      %dma_start3A_10 = tpu.memref_slice %arg5[%mul3A_2, %dma_start3A_9] : memref<10112x128xf32, #tpu.memory_space<hbm>> -> memref<632x128xf32, #tpu.memory_space<hbm>>
      tpu.enqueue_dma source(%dma_start3A_10 : memref<632x128xf32, #tpu.memory_space<hbm>>) target(%dma_start3A_8 : memref<632x128xf32, #tpu.memory_space<vmem_shared>>) target_semaphore(%run_scoped3A : memref<!tpu.dma_semaphore, #tpu.memory_space<semaphore_mem>>)
      %dma_wait3A = arith.constant 0 : i32
      %dma_wait3A_11 = tpu.memref_slice %arg10[%mul3A_2, %dma_wait3A] : memref<10112x128xf32, #tpu.memory_space<vmem_shared>> -> memref<632x128xf32, #tpu.memory_space<vmem_shared>>
      %dma_wait3A_12 = arith.constant 0 : i32
      %dma_wait3A_13 = tpu.memref_slice %arg5[%mul3A_2, %dma_wait3A_12] : memref<10112x128xf32, #tpu.memory_space<hbm>> -> memref<632x128xf32, #tpu.memory_space<hbm>>
      tpu.wait_dma2 semaphore(%run_scoped3A : memref<!tpu.dma_semaphore, #tpu.memory_space<semaphore_mem>>) src(%dma_wait3A_13 : memref<632x128xf32, #tpu.memory_space<hbm>>) dst(%dma_wait3A_11 : memref<632x128xf32, #tpu.memory_space<vmem_shared>>)
      tpu.yield
    }) : () -> ()
    %barrier3A = arith.constant 0 : index
    tpu.barrier barrier_id(%barrier3A)
    %scan3A = arith.constant 0 : i32
    %scan3A_3 = arith.constant 79 : i32
    %scan3A_4 = arith.addi %scan3A, %scan3A_3 : i32
    %scan3A_5 = arith.constant 1 : i32
    scf.for %scan3A_8 = %scan3A to %scan3A_4 step %scan3A_5  : i32 {
      %mul3A_9 = arith.constant 1 : i32
      %mul3A_10 = arith.muli %scan3A_8, %mul3A_9 : i32
      %add3A_11 = arith.constant 0 : i32
      %add3A_12 = arith.addi %add3A_11, %mul3A_10 : i32
      %dma_start3A = arith.constant 0 : i32
      %dma_start3A_13 = tpu.memref_slice %arg7[%add3A_12, %dma_start3A] : memref<79x128xi32, #tpu.memory_space<vmem>> -> memref<1x128xi32, #tpu.memory_space<vmem>>
      %dma_start3A_14 = tpu.memref_squeeze %dma_start3A_13 : memref<1x128xi32, #tpu.memory_space<vmem>> -> memref<128xi32, #tpu.memory_space<vmem>>
      %dma_start3A_15 = arith.constant 0 : i32
      %dma_start3A_16 = arith.constant 0 : i32
      %dma_start3A_17 = tpu.memref_slice %arg2[%dma_start3A_15, %dma_start3A_16] : memref<40000x128xf32, #tpu.memory_space<hbm>> -> memref<40000x128xf32, #tpu.memory_space<hbm>>
      tpu.enqueue_indirect_dma source(%dma_start3A_17 : memref<40000x128xf32, #tpu.memory_space<hbm>>) target(%arg9 : memref<128x128xf32, #tpu.memory_space<vmem>>) offsets(%dma_start3A_14 : memref<128xi32, #tpu.memory_space<vmem>>) semaphore(%arg11 : memref<!tpu.dma_semaphore, #tpu.memory_space<semaphore_mem>>)
      %dma_wait3A = arith.constant 0 : i32
      %dma_wait3A_18 = tpu.memref_slice %arg7[%add3A_12, %dma_wait3A] : memref<79x128xi32, #tpu.memory_space<vmem>> -> memref<1x128xi32, #tpu.memory_space<vmem>>
      %dma_wait3A_19 = tpu.memref_squeeze %dma_wait3A_18 : memref<1x128xi32, #tpu.memory_space<vmem>> -> memref<128xi32, #tpu.memory_space<vmem>>
      %dma_wait3A_20 = arith.constant 0 : i32
      %dma_wait3A_21 = arith.constant 0 : i32
      %dma_wait3A_22 = tpu.memref_slice %arg2[%dma_wait3A_20, %dma_wait3A_21] : memref<40000x128xf32, #tpu.memory_space<hbm>> -> memref<40000x128xf32, #tpu.memory_space<hbm>>
      tpu.wait_indirect_dma semaphore(%arg11 : memref<!tpu.dma_semaphore, #tpu.memory_space<semaphore_mem>>) src(%dma_wait3A_22 : memref<40000x128xf32, #tpu.memory_space<hbm>>) dst(%arg9 : memref<128x128xf32, #tpu.memory_space<vmem>>)
      "tpu.region"() ({
        %run_scoped3A = tpu.sem_alloc : memref<!tpu.dma_semaphore, #tpu.memory_space<semaphore_mem>>
        %dma_start3A_23 = arith.constant 0 : i32
        %dma_start3A_24 = tpu.memref_slice %arg8[%add3A_12, %dma_start3A_23] : memref<79x128xi32, #tpu.memory_space<vmem>> -> memref<1x128xi32, #tpu.memory_space<vmem>>
        %dma_start3A_25 = tpu.memref_squeeze %dma_start3A_24 : memref<1x128xi32, #tpu.memory_space<vmem>> -> memref<128xi32, #tpu.memory_space<vmem>>
        %dma_start3A_26 = arith.constant 0 : i32
        %dma_start3A_27 = arith.constant 0 : i32
        %dma_start3A_28 = tpu.memref_slice %arg10[%dma_start3A_26, %dma_start3A_27] : memref<10112x128xf32, #tpu.memory_space<vmem_shared>> -> memref<10112x128xf32, #tpu.memory_space<vmem_shared>>
        tpu.enqueue_indirect_dma source(%arg9 : memref<128x128xf32, #tpu.memory_space<vmem>>) target(%dma_start3A_28 : memref<10112x128xf32, #tpu.memory_space<vmem_shared>>) offsets(%dma_start3A_25 : memref<128xi32, #tpu.memory_space<vmem>>) semaphore(%run_scoped3A : memref<!tpu.dma_semaphore, #tpu.memory_space<semaphore_mem>>) {add = true}
        %dma_wait3A_29 = arith.constant 0 : i32
        %dma_wait3A_30 = tpu.memref_slice %arg8[%add3A_12, %dma_wait3A_29] : memref<79x128xi32, #tpu.memory_space<vmem>> -> memref<1x128xi32, #tpu.memory_space<vmem>>
        %dma_wait3A_31 = tpu.memref_squeeze %dma_wait3A_30 : memref<1x128xi32, #tpu.memory_space<vmem>> -> memref<128xi32, #tpu.memory_space<vmem>>
        %dma_wait3A_32 = arith.constant 0 : i32
        %dma_wait3A_33 = arith.constant 0 : i32
        %dma_wait3A_34 = tpu.memref_slice %arg10[%dma_wait3A_32, %dma_wait3A_33] : memref<10112x128xf32, #tpu.memory_space<vmem_shared>> -> memref<10112x128xf32, #tpu.memory_space<vmem_shared>>
        tpu.wait_indirect_dma semaphore(%run_scoped3A : memref<!tpu.dma_semaphore, #tpu.memory_space<semaphore_mem>>) src(%arg9 : memref<128x128xf32, #tpu.memory_space<vmem>>) dst(%dma_wait3A_34 : memref<10112x128xf32, #tpu.memory_space<vmem_shared>>)
        tpu.yield
      }) : () -> ()
    }
    %scan3A_6 = arith.constant 79 : i32
    %barrier3A_7 = arith.constant 0 : index
    tpu.barrier barrier_id(%barrier3A_7)
    "tpu.region"() ({
      %run_scoped3A = tpu.sem_alloc : memref<!tpu.dma_semaphore, #tpu.memory_space<semaphore_mem>>
      %dma_start3A = arith.constant 0 : i32
      %dma_start3A_8 = tpu.memref_slice %arg6[%arg0, %mul3A_2, %dma_start3A] : memref<2x10112x128xf32, #tpu.memory_space<hbm>> -> memref<1x632x128xf32, #tpu.memory_space<hbm>>
      %dma_start3A_9 = tpu.memref_squeeze %dma_start3A_8 : memref<1x632x128xf32, #tpu.memory_space<hbm>> -> memref<632x128xf32, #tpu.memory_space<hbm>>
      %dma_start3A_10 = arith.constant 0 : i32
      %dma_start3A_11 = tpu.memref_slice %arg10[%mul3A_2, %dma_start3A_10] : memref<10112x128xf32, #tpu.memory_space<vmem_shared>> -> memref<632x128xf32, #tpu.memory_space<vmem_shared>>
      tpu.enqueue_dma source(%dma_start3A_11 : memref<632x128xf32, #tpu.memory_space<vmem_shared>>) target(%dma_start3A_9 : memref<632x128xf32, #tpu.memory_space<hbm>>) target_semaphore(%run_scoped3A : memref<!tpu.dma_semaphore, #tpu.memory_space<semaphore_mem>>)
      %dma_wait3A = arith.constant 0 : i32
      %dma_wait3A_12 = tpu.memref_slice %arg6[%arg0, %mul3A_2, %dma_wait3A] : memref<2x10112x128xf32, #tpu.memory_space<hbm>> -> memref<1x632x128xf32, #tpu.memory_space<hbm>>
      %dma_wait3A_13 = tpu.memref_squeeze %dma_wait3A_12 : memref<1x632x128xf32, #tpu.memory_space<hbm>> -> memref<632x128xf32, #tpu.memory_space<hbm>>
      %dma_wait3A_14 = arith.constant 0 : i32
      %dma_wait3A_15 = tpu.memref_slice %arg10[%mul3A_2, %dma_wait3A_14] : memref<10112x128xf32, #tpu.memory_space<vmem_shared>> -> memref<632x128xf32, #tpu.memory_space<vmem_shared>>
      tpu.wait_dma2 semaphore(%run_scoped3A : memref<!tpu.dma_semaphore, #tpu.memory_space<semaphore_mem>>) src(%dma_wait3A_15 : memref<632x128xf32, #tpu.memory_space<vmem_shared>>) dst(%dma_wait3A_13 : memref<632x128xf32, #tpu.memory_space<hbm>>)
      tpu.yield
    }) : () -> ()
    return
  }
}

#map = affine_map<(d0, d1) -> (0, 0)>
#map1 = affine_map<(d0, d1) -> (0, 0, 0)>
module attributes {stable_mosaic.version = 14 : i64} {
  func.func @_sc_agg_body(%arg0: i32, %arg1: i32, %arg2: memref<40000x128xf32, #tpu.memory_space<hbm>>, %arg3: memref<32x79x128xi32, #tpu.memory_space<hbm>>, %arg4: memref<32x79x128xi32, #tpu.memory_space<hbm>>, %arg5: memref<10112x128xf32, #tpu.memory_space<hbm>>, %arg6: memref<2x10112x128xf32, #tpu.memory_space<hbm>>, %arg7: memref<79x128xi32, #tpu.memory_space<vmem>>, %arg8: memref<79x128xi32, #tpu.memory_space<vmem>>, %arg9: memref<128x128xf32, #tpu.memory_space<vmem>>, %arg10: memref<10112x128xf32, #tpu.memory_space<vmem_shared>>, %arg11: memref<!tpu.dma_semaphore, #tpu.memory_space<semaphore_mem>>) attributes {dimension_semantics = [#tpu.dimension_semantics<core_parallel>, #tpu.dimension_semantics<subcore_parallel>], iteration_bounds = array<i64: 2, 16>, scalar_prefetch = 0 : i64, scratch_operands = 5 : i64, tpu.core_type = #tpu.core_type<sc_vector_subcore>, window_params = [{transform_indices = #map}, {transform_indices = #map1}, {transform_indices = #map1}, {transform_indices = #map}, {transform_indices = #map1}]} {
    %mul3A = arith.constant 16 : i32
    %mul3A_0 = arith.muli %arg0, %mul3A : i32
    %add3A = arith.addi %mul3A_0, %arg1 : i32
    "tpu.region"() ({
      %run_scoped3A = tpu.sem_alloc : memref<!tpu.dma_semaphore, #tpu.memory_space<semaphore_mem>>
      %dma_start3A = arith.constant 0 : i32
      %dma_start3A_8 = arith.constant 0 : i32
      %dma_start3A_9 = tpu.memref_slice %arg3[%add3A, %dma_start3A, %dma_start3A_8] : memref<32x79x128xi32, #tpu.memory_space<hbm>> -> memref<1x79x128xi32, #tpu.memory_space<hbm>>
      %dma_start3A_10 = tpu.memref_squeeze %dma_start3A_9 : memref<1x79x128xi32, #tpu.memory_space<hbm>> -> memref<79x128xi32, #tpu.memory_space<hbm>>
      %dma_start3A_11 = arith.constant 0 : i32
      %dma_start3A_12 = arith.constant 0 : i32
      %dma_start3A_13 = tpu.memref_slice %arg3[%add3A, %dma_start3A_11, %dma_start3A_12] : memref<32x79x128xi32, #tpu.memory_space<hbm>> -> memref<1x79x128xi32, #tpu.memory_space<hbm>>
      %dma_start3A_14 = tpu.memref_squeeze %dma_start3A_13 : memref<1x79x128xi32, #tpu.memory_space<hbm>> -> memref<79x128xi32, #tpu.memory_space<hbm>>
      tpu.enqueue_dma source(%dma_start3A_14 : memref<79x128xi32, #tpu.memory_space<hbm>>) target(%arg7 : memref<79x128xi32, #tpu.memory_space<vmem>>) target_semaphore(%run_scoped3A : memref<!tpu.dma_semaphore, #tpu.memory_space<semaphore_mem>>)
      %dma_wait3A = arith.constant 0 : i32
      %dma_wait3A_15 = arith.constant 0 : i32
      %dma_wait3A_16 = tpu.memref_slice %arg3[%add3A, %dma_wait3A, %dma_wait3A_15] : memref<32x79x128xi32, #tpu.memory_space<hbm>> -> memref<1x79x128xi32, #tpu.memory_space<hbm>>
      %dma_wait3A_17 = tpu.memref_squeeze %dma_wait3A_16 : memref<1x79x128xi32, #tpu.memory_space<hbm>> -> memref<79x128xi32, #tpu.memory_space<hbm>>
      %dma_wait3A_18 = arith.constant 0 : i32
      %dma_wait3A_19 = arith.constant 0 : i32
      %dma_wait3A_20 = tpu.memref_slice %arg3[%add3A, %dma_wait3A_18, %dma_wait3A_19] : memref<32x79x128xi32, #tpu.memory_space<hbm>> -> memref<1x79x128xi32, #tpu.memory_space<hbm>>
      %dma_wait3A_21 = tpu.memref_squeeze %dma_wait3A_20 : memref<1x79x128xi32, #tpu.memory_space<hbm>> -> memref<79x128xi32, #tpu.memory_space<hbm>>
      tpu.wait_dma2 semaphore(%run_scoped3A : memref<!tpu.dma_semaphore, #tpu.memory_space<semaphore_mem>>) src(%dma_wait3A_21 : memref<79x128xi32, #tpu.memory_space<hbm>>) dst(%arg7 : memref<79x128xi32, #tpu.memory_space<vmem>>)
      tpu.yield
    }) : () -> ()
    "tpu.region"() ({
      %run_scoped3A = tpu.sem_alloc : memref<!tpu.dma_semaphore, #tpu.memory_space<semaphore_mem>>
      %dma_start3A = arith.constant 0 : i32
      %dma_start3A_8 = arith.constant 0 : i32
      %dma_start3A_9 = tpu.memref_slice %arg4[%add3A, %dma_start3A, %dma_start3A_8] : memref<32x79x128xi32, #tpu.memory_space<hbm>> -> memref<1x79x128xi32, #tpu.memory_space<hbm>>
      %dma_start3A_10 = tpu.memref_squeeze %dma_start3A_9 : memref<1x79x128xi32, #tpu.memory_space<hbm>> -> memref<79x128xi32, #tpu.memory_space<hbm>>
      %dma_start3A_11 = arith.constant 0 : i32
      %dma_start3A_12 = arith.constant 0 : i32
      %dma_start3A_13 = tpu.memref_slice %arg4[%add3A, %dma_start3A_11, %dma_start3A_12] : memref<32x79x128xi32, #tpu.memory_space<hbm>> -> memref<1x79x128xi32, #tpu.memory_space<hbm>>
      %dma_start3A_14 = tpu.memref_squeeze %dma_start3A_13 : memref<1x79x128xi32, #tpu.memory_space<hbm>> -> memref<79x128xi32, #tpu.memory_space<hbm>>
      tpu.enqueue_dma source(%dma_start3A_14 : memref<79x128xi32, #tpu.memory_space<hbm>>) target(%arg8 : memref<79x128xi32, #tpu.memory_space<vmem>>) target_semaphore(%run_scoped3A : memref<!tpu.dma_semaphore, #tpu.memory_space<semaphore_mem>>)
      %dma_wait3A = arith.constant 0 : i32
      %dma_wait3A_15 = arith.constant 0 : i32
      %dma_wait3A_16 = tpu.memref_slice %arg4[%add3A, %dma_wait3A, %dma_wait3A_15] : memref<32x79x128xi32, #tpu.memory_space<hbm>> -> memref<1x79x128xi32, #tpu.memory_space<hbm>>
      %dma_wait3A_17 = tpu.memref_squeeze %dma_wait3A_16 : memref<1x79x128xi32, #tpu.memory_space<hbm>> -> memref<79x128xi32, #tpu.memory_space<hbm>>
      %dma_wait3A_18 = arith.constant 0 : i32
      %dma_wait3A_19 = arith.constant 0 : i32
      %dma_wait3A_20 = tpu.memref_slice %arg4[%add3A, %dma_wait3A_18, %dma_wait3A_19] : memref<32x79x128xi32, #tpu.memory_space<hbm>> -> memref<1x79x128xi32, #tpu.memory_space<hbm>>
      %dma_wait3A_21 = tpu.memref_squeeze %dma_wait3A_20 : memref<1x79x128xi32, #tpu.memory_space<hbm>> -> memref<79x128xi32, #tpu.memory_space<hbm>>
      tpu.wait_dma2 semaphore(%run_scoped3A : memref<!tpu.dma_semaphore, #tpu.memory_space<semaphore_mem>>) src(%dma_wait3A_21 : memref<79x128xi32, #tpu.memory_space<hbm>>) dst(%arg8 : memref<79x128xi32, #tpu.memory_space<vmem>>)
      tpu.yield
    }) : () -> ()
    %mul3A_1 = arith.constant 632 : i32
    %mul3A_2 = arith.muli %arg1, %mul3A_1 : i32
    "tpu.region"() ({
      %run_scoped3A = tpu.sem_alloc : memref<!tpu.dma_semaphore, #tpu.memory_space<semaphore_mem>>
      %dma_start3A = arith.constant 0 : i32
      %dma_start3A_8 = tpu.memref_slice %arg10[%mul3A_2, %dma_start3A] : memref<10112x128xf32, #tpu.memory_space<vmem_shared>> -> memref<632x128xf32, #tpu.memory_space<vmem_shared>>
      %dma_start3A_9 = arith.constant 0 : i32
      %dma_start3A_10 = tpu.memref_slice %arg5[%mul3A_2, %dma_start3A_9] : memref<10112x128xf32, #tpu.memory_space<hbm>> -> memref<632x128xf32, #tpu.memory_space<hbm>>
      tpu.enqueue_dma source(%dma_start3A_10 : memref<632x128xf32, #tpu.memory_space<hbm>>) target(%dma_start3A_8 : memref<632x128xf32, #tpu.memory_space<vmem_shared>>) target_semaphore(%run_scoped3A : memref<!tpu.dma_semaphore, #tpu.memory_space<semaphore_mem>>)
      %dma_wait3A = arith.constant 0 : i32
      %dma_wait3A_11 = tpu.memref_slice %arg10[%mul3A_2, %dma_wait3A] : memref<10112x128xf32, #tpu.memory_space<vmem_shared>> -> memref<632x128xf32, #tpu.memory_space<vmem_shared>>
      %dma_wait3A_12 = arith.constant 0 : i32
      %dma_wait3A_13 = tpu.memref_slice %arg5[%mul3A_2, %dma_wait3A_12] : memref<10112x128xf32, #tpu.memory_space<hbm>> -> memref<632x128xf32, #tpu.memory_space<hbm>>
      tpu.wait_dma2 semaphore(%run_scoped3A : memref<!tpu.dma_semaphore, #tpu.memory_space<semaphore_mem>>) src(%dma_wait3A_13 : memref<632x128xf32, #tpu.memory_space<hbm>>) dst(%dma_wait3A_11 : memref<632x128xf32, #tpu.memory_space<vmem_shared>>)
      tpu.yield
    }) : () -> ()
    %barrier3A = arith.constant 0 : index
    tpu.barrier barrier_id(%barrier3A)
    %scan3A = arith.constant 0 : i32
    %scan3A_3 = arith.constant 79 : i32
    %scan3A_4 = arith.addi %scan3A, %scan3A_3 : i32
    %scan3A_5 = arith.constant 1 : i32
    scf.for %scan3A_8 = %scan3A to %scan3A_4 step %scan3A_5  : i32 {
      %mul3A_9 = arith.constant 1 : i32
      %mul3A_10 = arith.muli %scan3A_8, %mul3A_9 : i32
      %add3A_11 = arith.constant 0 : i32
      %add3A_12 = arith.addi %add3A_11, %mul3A_10 : i32
      %dma_start3A = arith.constant 0 : i32
      %dma_start3A_13 = tpu.memref_slice %arg7[%add3A_12, %dma_start3A] : memref<79x128xi32, #tpu.memory_space<vmem>> -> memref<1x128xi32, #tpu.memory_space<vmem>>
      %dma_start3A_14 = tpu.memref_squeeze %dma_start3A_13 : memref<1x128xi32, #tpu.memory_space<vmem>> -> memref<128xi32, #tpu.memory_space<vmem>>
      %dma_start3A_15 = arith.constant 0 : i32
      %dma_start3A_16 = arith.constant 0 : i32
      %dma_start3A_17 = tpu.memref_slice %arg2[%dma_start3A_15, %dma_start3A_16] : memref<40000x128xf32, #tpu.memory_space<hbm>> -> memref<40000x128xf32, #tpu.memory_space<hbm>>
      tpu.enqueue_indirect_dma source(%dma_start3A_17 : memref<40000x128xf32, #tpu.memory_space<hbm>>) target(%arg9 : memref<128x128xf32, #tpu.memory_space<vmem>>) offsets(%dma_start3A_14 : memref<128xi32, #tpu.memory_space<vmem>>) semaphore(%arg11 : memref<!tpu.dma_semaphore, #tpu.memory_space<semaphore_mem>>)
      %dma_wait3A = arith.constant 0 : i32
      %dma_wait3A_18 = tpu.memref_slice %arg7[%add3A_12, %dma_wait3A] : memref<79x128xi32, #tpu.memory_space<vmem>> -> memref<1x128xi32, #tpu.memory_space<vmem>>
      %dma_wait3A_19 = tpu.memref_squeeze %dma_wait3A_18 : memref<1x128xi32, #tpu.memory_space<vmem>> -> memref<128xi32, #tpu.memory_space<vmem>>
      %dma_wait3A_20 = arith.constant 0 : i32
      %dma_wait3A_21 = arith.constant 0 : i32
      %dma_wait3A_22 = tpu.memref_slice %arg2[%dma_wait3A_20, %dma_wait3A_21] : memref<40000x128xf32, #tpu.memory_space<hbm>> -> memref<40000x128xf32, #tpu.memory_space<hbm>>
      tpu.wait_indirect_dma semaphore(%arg11 : memref<!tpu.dma_semaphore, #tpu.memory_space<semaphore_mem>>) src(%dma_wait3A_22 : memref<40000x128xf32, #tpu.memory_space<hbm>>) dst(%arg9 : memref<128x128xf32, #tpu.memory_space<vmem>>)
      "tpu.region"() ({
        %run_scoped3A = tpu.sem_alloc : memref<!tpu.dma_semaphore, #tpu.memory_space<semaphore_mem>>
        %dma_start3A_23 = arith.constant 0 : i32
        %dma_start3A_24 = tpu.memref_slice %arg8[%add3A_12, %dma_start3A_23] : memref<79x128xi32, #tpu.memory_space<vmem>> -> memref<1x128xi32, #tpu.memory_space<vmem>>
        %dma_start3A_25 = tpu.memref_squeeze %dma_start3A_24 : memref<1x128xi32, #tpu.memory_space<vmem>> -> memref<128xi32, #tpu.memory_space<vmem>>
        %dma_start3A_26 = arith.constant 0 : i32
        %dma_start3A_27 = arith.constant 0 : i32
        %dma_start3A_28 = tpu.memref_slice %arg10[%dma_start3A_26, %dma_start3A_27] : memref<10112x128xf32, #tpu.memory_space<vmem_shared>> -> memref<10112x128xf32, #tpu.memory_space<vmem_shared>>
        tpu.enqueue_indirect_dma source(%arg9 : memref<128x128xf32, #tpu.memory_space<vmem>>) target(%dma_start3A_28 : memref<10112x128xf32, #tpu.memory_space<vmem_shared>>) offsets(%dma_start3A_25 : memref<128xi32, #tpu.memory_space<vmem>>) semaphore(%run_scoped3A : memref<!tpu.dma_semaphore, #tpu.memory_space<semaphore_mem>>) {add = true}
        %dma_wait3A_29 = arith.constant 0 : i32
        %dma_wait3A_30 = tpu.memref_slice %arg8[%add3A_12, %dma_wait3A_29] : memref<79x128xi32, #tpu.memory_space<vmem>> -> memref<1x128xi32, #tpu.memory_space<vmem>>
        %dma_wait3A_31 = tpu.memref_squeeze %dma_wait3A_30 : memref<1x128xi32, #tpu.memory_space<vmem>> -> memref<128xi32, #tpu.memory_space<vmem>>
        %dma_wait3A_32 = arith.constant 0 : i32
        %dma_wait3A_33 = arith.constant 0 : i32
        %dma_wait3A_34 = tpu.memref_slice %arg10[%dma_wait3A_32, %dma_wait3A_33] : memref<10112x128xf32, #tpu.memory_space<vmem_shared>> -> memref<10112x128xf32, #tpu.memory_space<vmem_shared>>
        tpu.wait_indirect_dma semaphore(%run_scoped3A : memref<!tpu.dma_semaphore, #tpu.memory_space<semaphore_mem>>) src(%arg9 : memref<128x128xf32, #tpu.memory_space<vmem>>) dst(%dma_wait3A_34 : memref<10112x128xf32, #tpu.memory_space<vmem_shared>>)
        tpu.yield
      }) : () -> ()
    }
    %scan3A_6 = arith.constant 79 : i32
    %barrier3A_7 = arith.constant 0 : index
    tpu.barrier barrier_id(%barrier3A_7)
    "tpu.region"() ({
      %run_scoped3A = tpu.sem_alloc : memref<!tpu.dma_semaphore, #tpu.memory_space<semaphore_mem>>
      %dma_start3A = arith.constant 0 : i32
      %dma_start3A_8 = tpu.memref_slice %arg6[%arg0, %mul3A_2, %dma_start3A] : memref<2x10112x128xf32, #tpu.memory_space<hbm>> -> memref<1x632x128xf32, #tpu.memory_space<hbm>>
      %dma_start3A_9 = tpu.memref_squeeze %dma_start3A_8 : memref<1x632x128xf32, #tpu.memory_space<hbm>> -> memref<632x128xf32, #tpu.memory_space<hbm>>
      %dma_start3A_10 = arith.constant 0 : i32
      %dma_start3A_11 = tpu.memref_slice %arg10[%mul3A_2, %dma_start3A_10] : memref<10112x128xf32, #tpu.memory_space<vmem_shared>> -> memref<632x128xf32, #tpu.memory_space<vmem_shared>>
      tpu.enqueue_dma source(%dma_start3A_11 : memref<632x128xf32, #tpu.memory_space<vmem_shared>>) target(%dma_start3A_9 : memref<632x128xf32, #tpu.memory_space<hbm>>) target_semaphore(%run_scoped3A : memref<!tpu.dma_semaphore, #tpu.memory_space<semaphore_mem>>)
      %dma_wait3A = arith.constant 0 : i32
      %dma_wait3A_12 = tpu.memref_slice %arg6[%arg0, %mul3A_2, %dma_wait3A] : memref<2x10112x128xf32, #tpu.memory_space<hbm>> -> memref<1x632x128xf32, #tpu.memory_space<hbm>>
      %dma_wait3A_13 = tpu.memref_squeeze %dma_wait3A_12 : memref<1x632x128xf32, #tpu.memory_space<hbm>> -> memref<632x128xf32, #tpu.memory_space<hbm>>
      %dma_wait3A_14 = arith.constant 0 : i32
      %dma_wait3A_15 = tpu.memref_slice %arg10[%mul3A_2, %dma_wait3A_14] : memref<10112x128xf32, #tpu.memory_space<vmem_shared>> -> memref<632x128xf32, #tpu.memory_space<vmem_shared>>
      tpu.wait_dma2 semaphore(%run_scoped3A : memref<!tpu.dma_semaphore, #tpu.memory_space<semaphore_mem>>) src(%dma_wait3A_15 : memref<632x128xf32, #tpu.memory_space<vmem_shared>>) dst(%dma_wait3A_13 : memref<632x128xf32, #tpu.memory_space<hbm>>)
      tpu.yield
    }) : () -> ()
    return
  }
}

#map = affine_map<(d0, d1) -> (0, 0)>
#map1 = affine_map<(d0, d1) -> (0, 0, 0)>
module attributes {stable_mosaic.version = 14 : i64} {
  func.func @_sc_agg_body(%arg0: i32, %arg1: i32, %arg2: memref<40000x128xf32, #tpu.memory_space<hbm>>, %arg3: memref<32x79x128xi32, #tpu.memory_space<hbm>>, %arg4: memref<32x79x128xi32, #tpu.memory_space<hbm>>, %arg5: memref<10112x128xf32, #tpu.memory_space<hbm>>, %arg6: memref<2x10112x128xf32, #tpu.memory_space<hbm>>, %arg7: memref<79x128xi32, #tpu.memory_space<vmem>>, %arg8: memref<79x128xi32, #tpu.memory_space<vmem>>, %arg9: memref<128x128xf32, #tpu.memory_space<vmem>>, %arg10: memref<10112x128xf32, #tpu.memory_space<vmem_shared>>, %arg11: memref<!tpu.dma_semaphore, #tpu.memory_space<semaphore_mem>>) attributes {dimension_semantics = [#tpu.dimension_semantics<core_parallel>, #tpu.dimension_semantics<subcore_parallel>], iteration_bounds = array<i64: 2, 16>, scalar_prefetch = 0 : i64, scratch_operands = 5 : i64, tpu.core_type = #tpu.core_type<sc_vector_subcore>, window_params = [{transform_indices = #map}, {transform_indices = #map1}, {transform_indices = #map1}, {transform_indices = #map}, {transform_indices = #map1}]} {
    %mul3A = arith.constant 16 : i32
    %mul3A_0 = arith.muli %arg0, %mul3A : i32
    %add3A = arith.addi %mul3A_0, %arg1 : i32
    "tpu.region"() ({
      %run_scoped3A = tpu.sem_alloc : memref<!tpu.dma_semaphore, #tpu.memory_space<semaphore_mem>>
      %dma_start3A = arith.constant 0 : i32
      %dma_start3A_8 = arith.constant 0 : i32
      %dma_start3A_9 = tpu.memref_slice %arg3[%add3A, %dma_start3A, %dma_start3A_8] : memref<32x79x128xi32, #tpu.memory_space<hbm>> -> memref<1x79x128xi32, #tpu.memory_space<hbm>>
      %dma_start3A_10 = tpu.memref_squeeze %dma_start3A_9 : memref<1x79x128xi32, #tpu.memory_space<hbm>> -> memref<79x128xi32, #tpu.memory_space<hbm>>
      %dma_start3A_11 = arith.constant 0 : i32
      %dma_start3A_12 = arith.constant 0 : i32
      %dma_start3A_13 = tpu.memref_slice %arg3[%add3A, %dma_start3A_11, %dma_start3A_12] : memref<32x79x128xi32, #tpu.memory_space<hbm>> -> memref<1x79x128xi32, #tpu.memory_space<hbm>>
      %dma_start3A_14 = tpu.memref_squeeze %dma_start3A_13 : memref<1x79x128xi32, #tpu.memory_space<hbm>> -> memref<79x128xi32, #tpu.memory_space<hbm>>
      tpu.enqueue_dma source(%dma_start3A_14 : memref<79x128xi32, #tpu.memory_space<hbm>>) target(%arg7 : memref<79x128xi32, #tpu.memory_space<vmem>>) target_semaphore(%run_scoped3A : memref<!tpu.dma_semaphore, #tpu.memory_space<semaphore_mem>>)
      %dma_wait3A = arith.constant 0 : i32
      %dma_wait3A_15 = arith.constant 0 : i32
      %dma_wait3A_16 = tpu.memref_slice %arg3[%add3A, %dma_wait3A, %dma_wait3A_15] : memref<32x79x128xi32, #tpu.memory_space<hbm>> -> memref<1x79x128xi32, #tpu.memory_space<hbm>>
      %dma_wait3A_17 = tpu.memref_squeeze %dma_wait3A_16 : memref<1x79x128xi32, #tpu.memory_space<hbm>> -> memref<79x128xi32, #tpu.memory_space<hbm>>
      %dma_wait3A_18 = arith.constant 0 : i32
      %dma_wait3A_19 = arith.constant 0 : i32
      %dma_wait3A_20 = tpu.memref_slice %arg3[%add3A, %dma_wait3A_18, %dma_wait3A_19] : memref<32x79x128xi32, #tpu.memory_space<hbm>> -> memref<1x79x128xi32, #tpu.memory_space<hbm>>
      %dma_wait3A_21 = tpu.memref_squeeze %dma_wait3A_20 : memref<1x79x128xi32, #tpu.memory_space<hbm>> -> memref<79x128xi32, #tpu.memory_space<hbm>>
      tpu.wait_dma2 semaphore(%run_scoped3A : memref<!tpu.dma_semaphore, #tpu.memory_space<semaphore_mem>>) src(%dma_wait3A_21 : memref<79x128xi32, #tpu.memory_space<hbm>>) dst(%arg7 : memref<79x128xi32, #tpu.memory_space<vmem>>)
      tpu.yield
    }) : () -> ()
    "tpu.region"() ({
      %run_scoped3A = tpu.sem_alloc : memref<!tpu.dma_semaphore, #tpu.memory_space<semaphore_mem>>
      %dma_start3A = arith.constant 0 : i32
      %dma_start3A_8 = arith.constant 0 : i32
      %dma_start3A_9 = tpu.memref_slice %arg4[%add3A, %dma_start3A, %dma_start3A_8] : memref<32x79x128xi32, #tpu.memory_space<hbm>> -> memref<1x79x128xi32, #tpu.memory_space<hbm>>
      %dma_start3A_10 = tpu.memref_squeeze %dma_start3A_9 : memref<1x79x128xi32, #tpu.memory_space<hbm>> -> memref<79x128xi32, #tpu.memory_space<hbm>>
      %dma_start3A_11 = arith.constant 0 : i32
      %dma_start3A_12 = arith.constant 0 : i32
      %dma_start3A_13 = tpu.memref_slice %arg4[%add3A, %dma_start3A_11, %dma_start3A_12] : memref<32x79x128xi32, #tpu.memory_space<hbm>> -> memref<1x79x128xi32, #tpu.memory_space<hbm>>
      %dma_start3A_14 = tpu.memref_squeeze %dma_start3A_13 : memref<1x79x128xi32, #tpu.memory_space<hbm>> -> memref<79x128xi32, #tpu.memory_space<hbm>>
      tpu.enqueue_dma source(%dma_start3A_14 : memref<79x128xi32, #tpu.memory_space<hbm>>) target(%arg8 : memref<79x128xi32, #tpu.memory_space<vmem>>) target_semaphore(%run_scoped3A : memref<!tpu.dma_semaphore, #tpu.memory_space<semaphore_mem>>)
      %dma_wait3A = arith.constant 0 : i32
      %dma_wait3A_15 = arith.constant 0 : i32
      %dma_wait3A_16 = tpu.memref_slice %arg4[%add3A, %dma_wait3A, %dma_wait3A_15] : memref<32x79x128xi32, #tpu.memory_space<hbm>> -> memref<1x79x128xi32, #tpu.memory_space<hbm>>
      %dma_wait3A_17 = tpu.memref_squeeze %dma_wait3A_16 : memref<1x79x128xi32, #tpu.memory_space<hbm>> -> memref<79x128xi32, #tpu.memory_space<hbm>>
      %dma_wait3A_18 = arith.constant 0 : i32
      %dma_wait3A_19 = arith.constant 0 : i32
      %dma_wait3A_20 = tpu.memref_slice %arg4[%add3A, %dma_wait3A_18, %dma_wait3A_19] : memref<32x79x128xi32, #tpu.memory_space<hbm>> -> memref<1x79x128xi32, #tpu.memory_space<hbm>>
      %dma_wait3A_21 = tpu.memref_squeeze %dma_wait3A_20 : memref<1x79x128xi32, #tpu.memory_space<hbm>> -> memref<79x128xi32, #tpu.memory_space<hbm>>
      tpu.wait_dma2 semaphore(%run_scoped3A : memref<!tpu.dma_semaphore, #tpu.memory_space<semaphore_mem>>) src(%dma_wait3A_21 : memref<79x128xi32, #tpu.memory_space<hbm>>) dst(%arg8 : memref<79x128xi32, #tpu.memory_space<vmem>>)
      tpu.yield
    }) : () -> ()
    %mul3A_1 = arith.constant 632 : i32
    %mul3A_2 = arith.muli %arg1, %mul3A_1 : i32
    "tpu.region"() ({
      %run_scoped3A = tpu.sem_alloc : memref<!tpu.dma_semaphore, #tpu.memory_space<semaphore_mem>>
      %dma_start3A = arith.constant 0 : i32
      %dma_start3A_8 = tpu.memref_slice %arg10[%mul3A_2, %dma_start3A] : memref<10112x128xf32, #tpu.memory_space<vmem_shared>> -> memref<632x128xf32, #tpu.memory_space<vmem_shared>>
      %dma_start3A_9 = arith.constant 0 : i32
      %dma_start3A_10 = tpu.memref_slice %arg5[%mul3A_2, %dma_start3A_9] : memref<10112x128xf32, #tpu.memory_space<hbm>> -> memref<632x128xf32, #tpu.memory_space<hbm>>
      tpu.enqueue_dma source(%dma_start3A_10 : memref<632x128xf32, #tpu.memory_space<hbm>>) target(%dma_start3A_8 : memref<632x128xf32, #tpu.memory_space<vmem_shared>>) target_semaphore(%run_scoped3A : memref<!tpu.dma_semaphore, #tpu.memory_space<semaphore_mem>>)
      %dma_wait3A = arith.constant 0 : i32
      %dma_wait3A_11 = tpu.memref_slice %arg10[%mul3A_2, %dma_wait3A] : memref<10112x128xf32, #tpu.memory_space<vmem_shared>> -> memref<632x128xf32, #tpu.memory_space<vmem_shared>>
      %dma_wait3A_12 = arith.constant 0 : i32
      %dma_wait3A_13 = tpu.memref_slice %arg5[%mul3A_2, %dma_wait3A_12] : memref<10112x128xf32, #tpu.memory_space<hbm>> -> memref<632x128xf32, #tpu.memory_space<hbm>>
      tpu.wait_dma2 semaphore(%run_scoped3A : memref<!tpu.dma_semaphore, #tpu.memory_space<semaphore_mem>>) src(%dma_wait3A_13 : memref<632x128xf32, #tpu.memory_space<hbm>>) dst(%dma_wait3A_11 : memref<632x128xf32, #tpu.memory_space<vmem_shared>>)
      tpu.yield
    }) : () -> ()
    %barrier3A = arith.constant 0 : index
    tpu.barrier barrier_id(%barrier3A)
    %scan3A = arith.constant 0 : i32
    %scan3A_3 = arith.constant 79 : i32
    %scan3A_4 = arith.addi %scan3A, %scan3A_3 : i32
    %scan3A_5 = arith.constant 1 : i32
    scf.for %scan3A_8 = %scan3A to %scan3A_4 step %scan3A_5  : i32 {
      %mul3A_9 = arith.constant 1 : i32
      %mul3A_10 = arith.muli %scan3A_8, %mul3A_9 : i32
      %add3A_11 = arith.constant 0 : i32
      %add3A_12 = arith.addi %add3A_11, %mul3A_10 : i32
      %dma_start3A = arith.constant 0 : i32
      %dma_start3A_13 = tpu.memref_slice %arg7[%add3A_12, %dma_start3A] : memref<79x128xi32, #tpu.memory_space<vmem>> -> memref<1x128xi32, #tpu.memory_space<vmem>>
      %dma_start3A_14 = tpu.memref_squeeze %dma_start3A_13 : memref<1x128xi32, #tpu.memory_space<vmem>> -> memref<128xi32, #tpu.memory_space<vmem>>
      %dma_start3A_15 = arith.constant 0 : i32
      %dma_start3A_16 = arith.constant 0 : i32
      %dma_start3A_17 = tpu.memref_slice %arg2[%dma_start3A_15, %dma_start3A_16] : memref<40000x128xf32, #tpu.memory_space<hbm>> -> memref<40000x128xf32, #tpu.memory_space<hbm>>
      tpu.enqueue_indirect_dma source(%dma_start3A_17 : memref<40000x128xf32, #tpu.memory_space<hbm>>) target(%arg9 : memref<128x128xf32, #tpu.memory_space<vmem>>) offsets(%dma_start3A_14 : memref<128xi32, #tpu.memory_space<vmem>>) semaphore(%arg11 : memref<!tpu.dma_semaphore, #tpu.memory_space<semaphore_mem>>)
      %dma_wait3A = arith.constant 0 : i32
      %dma_wait3A_18 = tpu.memref_slice %arg7[%add3A_12, %dma_wait3A] : memref<79x128xi32, #tpu.memory_space<vmem>> -> memref<1x128xi32, #tpu.memory_space<vmem>>
      %dma_wait3A_19 = tpu.memref_squeeze %dma_wait3A_18 : memref<1x128xi32, #tpu.memory_space<vmem>> -> memref<128xi32, #tpu.memory_space<vmem>>
      %dma_wait3A_20 = arith.constant 0 : i32
      %dma_wait3A_21 = arith.constant 0 : i32
      %dma_wait3A_22 = tpu.memref_slice %arg2[%dma_wait3A_20, %dma_wait3A_21] : memref<40000x128xf32, #tpu.memory_space<hbm>> -> memref<40000x128xf32, #tpu.memory_space<hbm>>
      tpu.wait_indirect_dma semaphore(%arg11 : memref<!tpu.dma_semaphore, #tpu.memory_space<semaphore_mem>>) src(%dma_wait3A_22 : memref<40000x128xf32, #tpu.memory_space<hbm>>) dst(%arg9 : memref<128x128xf32, #tpu.memory_space<vmem>>)
      "tpu.region"() ({
        %run_scoped3A = tpu.sem_alloc : memref<!tpu.dma_semaphore, #tpu.memory_space<semaphore_mem>>
        %dma_start3A_23 = arith.constant 0 : i32
        %dma_start3A_24 = tpu.memref_slice %arg8[%add3A_12, %dma_start3A_23] : memref<79x128xi32, #tpu.memory_space<vmem>> -> memref<1x128xi32, #tpu.memory_space<vmem>>
        %dma_start3A_25 = tpu.memref_squeeze %dma_start3A_24 : memref<1x128xi32, #tpu.memory_space<vmem>> -> memref<128xi32, #tpu.memory_space<vmem>>
        %dma_start3A_26 = arith.constant 0 : i32
        %dma_start3A_27 = arith.constant 0 : i32
        %dma_start3A_28 = tpu.memref_slice %arg10[%dma_start3A_26, %dma_start3A_27] : memref<10112x128xf32, #tpu.memory_space<vmem_shared>> -> memref<10112x128xf32, #tpu.memory_space<vmem_shared>>
        tpu.enqueue_indirect_dma source(%arg9 : memref<128x128xf32, #tpu.memory_space<vmem>>) target(%dma_start3A_28 : memref<10112x128xf32, #tpu.memory_space<vmem_shared>>) offsets(%dma_start3A_25 : memref<128xi32, #tpu.memory_space<vmem>>) semaphore(%run_scoped3A : memref<!tpu.dma_semaphore, #tpu.memory_space<semaphore_mem>>) {add = true}
        %dma_wait3A_29 = arith.constant 0 : i32
        %dma_wait3A_30 = tpu.memref_slice %arg8[%add3A_12, %dma_wait3A_29] : memref<79x128xi32, #tpu.memory_space<vmem>> -> memref<1x128xi32, #tpu.memory_space<vmem>>
        %dma_wait3A_31 = tpu.memref_squeeze %dma_wait3A_30 : memref<1x128xi32, #tpu.memory_space<vmem>> -> memref<128xi32, #tpu.memory_space<vmem>>
        %dma_wait3A_32 = arith.constant 0 : i32
        %dma_wait3A_33 = arith.constant 0 : i32
        %dma_wait3A_34 = tpu.memref_slice %arg10[%dma_wait3A_32, %dma_wait3A_33] : memref<10112x128xf32, #tpu.memory_space<vmem_shared>> -> memref<10112x128xf32, #tpu.memory_space<vmem_shared>>
        tpu.wait_indirect_dma semaphore(%run_scoped3A : memref<!tpu.dma_semaphore, #tpu.memory_space<semaphore_mem>>) src(%arg9 : memref<128x128xf32, #tpu.memory_space<vmem>>) dst(%dma_wait3A_34 : memref<10112x128xf32, #tpu.memory_space<vmem_shared>>)
        tpu.yield
      }) : () -> ()
    }
    %scan3A_6 = arith.constant 79 : i32
    %barrier3A_7 = arith.constant 0 : index
    tpu.barrier barrier_id(%barrier3A_7)
    "tpu.region"() ({
      %run_scoped3A = tpu.sem_alloc : memref<!tpu.dma_semaphore, #tpu.memory_space<semaphore_mem>>
      %dma_start3A = arith.constant 0 : i32
      %dma_start3A_8 = tpu.memref_slice %arg6[%arg0, %mul3A_2, %dma_start3A] : memref<2x10112x128xf32, #tpu.memory_space<hbm>> -> memref<1x632x128xf32, #tpu.memory_space<hbm>>
      %dma_start3A_9 = tpu.memref_squeeze %dma_start3A_8 : memref<1x632x128xf32, #tpu.memory_space<hbm>> -> memref<632x128xf32, #tpu.memory_space<hbm>>
      %dma_start3A_10 = arith.constant 0 : i32
      %dma_start3A_11 = tpu.memref_slice %arg10[%mul3A_2, %dma_start3A_10] : memref<10112x128xf32, #tpu.memory_space<vmem_shared>> -> memref<632x128xf32, #tpu.memory_space<vmem_shared>>
      tpu.enqueue_dma source(%dma_start3A_11 : memref<632x128xf32, #tpu.memory_space<vmem_shared>>) target(%dma_start3A_9 : memref<632x128xf32, #tpu.memory_space<hbm>>) target_semaphore(%run_scoped3A : memref<!tpu.dma_semaphore, #tpu.memory_space<semaphore_mem>>)
      %dma_wait3A = arith.constant 0 : i32
      %dma_wait3A_12 = tpu.memref_slice %arg6[%arg0, %mul3A_2, %dma_wait3A] : memref<2x10112x128xf32, #tpu.memory_space<hbm>> -> memref<1x632x128xf32, #tpu.memory_space<hbm>>
      %dma_wait3A_13 = tpu.memref_squeeze %dma_wait3A_12 : memref<1x632x128xf32, #tpu.memory_space<hbm>> -> memref<632x128xf32, #tpu.memory_space<hbm>>
      %dma_wait3A_14 = arith.constant 0 : i32
      %dma_wait3A_15 = tpu.memref_slice %arg10[%mul3A_2, %dma_wait3A_14] : memref<10112x128xf32, #tpu.memory_space<vmem_shared>> -> memref<632x128xf32, #tpu.memory_space<vmem_shared>>
      tpu.wait_dma2 semaphore(%run_scoped3A : memref<!tpu.dma_semaphore, #tpu.memory_space<semaphore_mem>>) src(%dma_wait3A_15 : memref<632x128xf32, #tpu.memory_space<vmem_shared>>) dst(%dma_wait3A_13 : memref<632x128xf32, #tpu.memory_space<hbm>>)
      tpu.yield
    }) : () -> ()
    return
  }
}

module attributes {stable_mosaic.version = 14 : i64} {
  func.func @_enc_body(%arg0: memref<10000x1xi32, #tpu.memory_space<vmem>>, %arg1: memref<2500x128xi32, #tpu.memory_space<vmem>>, %arg2: memref<2500x128xi32, #tpu.memory_space<vmem>>, %arg3: memref<32x128xf32, #tpu.memory_space<vmem>>, %arg4: memref<4x128xf32, #tpu.memory_space<vmem>>, %arg5: memref<10000x128xf32, #tpu.memory_space<vmem>>, %arg6: memref<40000x128xf32, #tpu.memory_space<vmem>>, %arg7: memref<2500x128xi32, #tpu.memory_space<vmem>>) attributes {dimension_semantics = [], scalar_prefetch = 0 : i64, scratch_operands = 0 : i64, tpu.core_type = #tpu.core_type<tc>} {
    %iota3A = tpu.iota {dimensions = array<i32: 1>} : vector<10000x32xi32>
    %get3A = arith.constant 0 : index
    %get3A_0 = arith.constant 0 : index
    %get3A_1 = vector.load %arg0[%get3A, %get3A_0] : memref<10000x1xi32, #tpu.memory_space<vmem>>, vector<10000x1xi32>
    %eq3A = vector.broadcast %get3A_1 : vector<10000x1xi32> to vector<10000x32xi32>
    %eq3A_2 = arith.cmpi eq, %eq3A, %iota3A : vector<10000x32xi32>
    %convert_element_type3A = arith.extui %eq3A_2 : vector<10000x32xi1> to vector<10000x32xi32>
    %convert_element_type3A_3 = arith.sitofp %convert_element_type3A : vector<10000x32xi32> to vector<10000x32xf32>
    %get3A_4 = arith.constant 0 : index
    %get3A_5 = arith.constant 0 : index
    %get3A_6 = vector.load %arg3[%get3A_4, %get3A_5] : memref<32x128xf32, #tpu.memory_space<vmem>>, vector<32x128xf32>
    %dot_general3A = arith.constant dense<0.000000e+00> : vector<10000x128xf32>
    %dot_general3A_7 = tpu.matmul %convert_element_type3A_3, %get3A_6, %dot_general3A {dimension_numbers = #tpu.dot_dimension_numbers<[1], [0], [0], [1], [0, 0, 1, 1], [], []>, transpose_lhs_hint = false} : vector<10000x32xf32>, vector<32x128xf32>, vector<10000x128xf32> -> vector<10000x128xf32>
    %swap3A = arith.constant 0 : index
    %swap3A_8 = arith.constant 0 : index
    %swap3A_9 = vector.load %arg5[%swap3A, %swap3A_8] : memref<10000x128xf32, #tpu.memory_space<vmem>>, vector<10000x128xf32>
    tpu.vector_store %arg5[%swap3A, %swap3A_8], %dot_general3A_7 {strides = array<i32>} : memref<10000x128xf32, #tpu.memory_space<vmem>>, vector<10000x128xf32>,
    %get3A_10 = arith.constant 0 : index
    %get3A_11 = arith.constant 0 : index
    %get3A_12 = vector.load %arg4[%get3A_10, %get3A_11] : memref<4x128xf32, #tpu.memory_space<vmem>>, vector<1x128xf32>
    %add3A = vector.broadcast %get3A_12 : vector<1x128xf32> to vector<10000x128xf32>
    %add3A_13 = arith.addf %dot_general3A_7, %add3A : vector<10000x128xf32>
    %max3A = arith.constant 0.000000e+00 : f32
    %max3A_14 = vector.broadcast %max3A : f32 to vector<10000x128xf32>
    %max3A_15 = arith.maximumf %add3A_13, %max3A_14 : vector<10000x128xf32>
    %swap3A_16 = arith.constant 0 : index
    %swap3A_17 = arith.constant 0 : index
    %swap3A_18 = vector.load %arg6[%swap3A_16, %swap3A_17] : memref<40000x128xf32, #tpu.memory_space<vmem>>, vector<10000x128xf32>
    tpu.vector_store %arg6[%swap3A_16, %swap3A_17], %max3A_15 {strides = array<i32>} : memref<40000x128xf32, #tpu.memory_space<vmem>>, vector<10000x128xf32>,
    %get3A_19 = arith.constant 1 : index
    %get3A_20 = arith.constant 0 : index
    %get3A_21 = vector.load %arg4[%get3A_19, %get3A_20] : memref<4x128xf32, #tpu.memory_space<vmem>>, vector<1x128xf32>
    %add3A_22 = vector.broadcast %get3A_21 : vector<1x128xf32> to vector<10000x128xf32>
    %add3A_23 = arith.addf %dot_general3A_7, %add3A_22 : vector<10000x128xf32>
    %max3A_24 = arith.constant 0.000000e+00 : f32
    %max3A_25 = vector.broadcast %max3A_24 : f32 to vector<10000x128xf32>
    %max3A_26 = arith.maximumf %add3A_23, %max3A_25 : vector<10000x128xf32>
    %swap3A_27 = arith.constant 10000 : index
    %swap3A_28 = arith.constant 0 : index
    %swap3A_29 = vector.load %arg6[%swap3A_27, %swap3A_28] : memref<40000x128xf32, #tpu.memory_space<vmem>>, vector<10000x128xf32>
    tpu.vector_store %arg6[%swap3A_27, %swap3A_28], %max3A_26 {strides = array<i32>} : memref<40000x128xf32, #tpu.memory_space<vmem>>, vector<10000x128xf32>,
    %get3A_30 = arith.constant 2 : index
    %get3A_31 = arith.constant 0 : index
    %get3A_32 = vector.load %arg4[%get3A_30, %get3A_31] : memref<4x128xf32, #tpu.memory_space<vmem>>, vector<1x128xf32>
    %add3A_33 = vector.broadcast %get3A_32 : vector<1x128xf32> to vector<10000x128xf32>
    %add3A_34 = arith.addf %dot_general3A_7, %add3A_33 : vector<10000x128xf32>
    %max3A_35 = arith.constant 0.000000e+00 : f32
    %max3A_36 = vector.broadcast %max3A_35 : f32 to vector<10000x128xf32>
    %max3A_37 = arith.maximumf %add3A_34, %max3A_36 : vector<10000x128xf32>
    %swap3A_38 = arith.constant 20000 : index
    %swap3A_39 = arith.constant 0 : index
    %swap3A_40 = vector.load %arg6[%swap3A_38, %swap3A_39] : memref<40000x128xf32, #tpu.memory_space<vmem>>, vector<10000x128xf32>
    tpu.vector_store %arg6[%swap3A_38, %swap3A_39], %max3A_37 {strides = array<i32>} : memref<40000x128xf32, #tpu.memory_space<vmem>>, vector<10000x128xf32>,
    %get3A_41 = arith.constant 3 : index
    %get3A_42 = arith.constant 0 : index
    %get3A_43 = vector.load %arg4[%get3A_41, %get3A_42] : memref<4x128xf32, #tpu.memory_space<vmem>>, vector<1x128xf32>
    %add3A_44 = vector.broadcast %get3A_43 : vector<1x128xf32> to vector<10000x128xf32>
    %add3A_45 = arith.addf %dot_general3A_7, %add3A_44 : vector<10000x128xf32>
    %max3A_46 = arith.constant 0.000000e+00 : f32
    %max3A_47 = vector.broadcast %max3A_46 : f32 to vector<10000x128xf32>
    %max3A_48 = arith.maximumf %add3A_45, %max3A_47 : vector<10000x128xf32>
    %swap3A_49 = arith.constant 30000 : index
    %swap3A_50 = arith.constant 0 : index
    %swap3A_51 = vector.load %arg6[%swap3A_49, %swap3A_50] : memref<40000x128xf32, #tpu.memory_space<vmem>>, vector<10000x128xf32>
    tpu.vector_store %arg6[%swap3A_49, %swap3A_50], %max3A_48 {strides = array<i32>} : memref<40000x128xf32, #tpu.memory_space<vmem>>, vector<10000x128xf32>,
    %get3A_52 = arith.constant 0 : index
    %get3A_53 = arith.constant 0 : index
    %get3A_54 = vector.load %arg2[%get3A_52, %get3A_53] : memref<2500x128xi32, #tpu.memory_space<vmem>>, vector<2500x128xi32>
    %mul3A = arith.constant 10000 : i32
    %mul3A_55 = vector.broadcast %mul3A : i32 to vector<2500x128xi32>
    %mul3A_56 = arith.muli %get3A_54, %mul3A_55 : vector<2500x128xi32>
    %get3A_57 = arith.constant 0 : index
    %get3A_58 = arith.constant 0 : index
    %get3A_59 = vector.load %arg1[%get3A_57, %get3A_58] : memref<2500x128xi32, #tpu.memory_space<vmem>>, vector<2500x128xi32>
    %add3A_60 = arith.addi %mul3A_56, %get3A_59 : vector<2500x128xi32>
    %swap3A_61 = arith.constant 0 : index
    %swap3A_62 = arith.constant 0 : index
    %swap3A_63 = vector.load %arg7[%swap3A_61, %swap3A_62] : memref<2500x128xi32, #tpu.memory_space<vmem>>, vector<2500x128xi32>
    tpu.vector_store %arg7[%swap3A_61, %swap3A_62], %add3A_60 {strides = array<i32>} : memref<2500x128xi32, #tpu.memory_space<vmem>>, vector<2500x128xi32>,
    return
  }
}

module attributes {stable_mosaic.version = 14 : i64} {
  func.func @_layer_body(%arg0: memref<10000x128xf32, #tpu.memory_space<vmem>>, %arg1: memref<2x10112x128xf32, #tpu.memory_space<vmem>>, %arg2: memref<128x128xf32, #tpu.memory_space<vmem>>, %arg3: memref<1x128xf32, #tpu.memory_space<vmem>>, %arg4: memref<128x128xf32, #tpu.memory_space<vmem>>, %arg5: memref<1x128xf32, #tpu.memory_space<vmem>>, %arg6: memref<1x128xf32, #tpu.memory_space<vmem>>, %arg7: memref<1x128xf32, #tpu.memory_space<vmem>>, %arg8: memref<4x128xf32, #tpu.memory_space<vmem>>, %arg9: memref<10000x128xf32, #tpu.memory_space<vmem>>, %arg10: memref<40000x128xf32, #tpu.memory_space<vmem>>) attributes {dimension_semantics = [], scalar_prefetch = 0 : i64, scratch_operands = 0 : i64, tpu.core_type = #tpu.core_type<tc>} {
    %get3A = arith.constant 0 : index
    %get3A_0 = arith.constant 0 : index
    %get3A_1 = vector.load %arg0[%get3A, %get3A_0] : memref<10000x128xf32, #tpu.memory_space<vmem>>, vector<10000x128xf32>
    %get3A_2 = arith.constant 0 : index
    %get3A_3 = arith.constant 0 : index
    %get3A_4 = arith.constant 0 : index
    %get3A_5 = vector.load %arg1[%get3A_2, %get3A_3, %get3A_4] : memref<2x10112x128xf32, #tpu.memory_space<vmem>>, vector<1x10000x128xf32>
    %get3A_6 = vector.shape_cast %get3A_5 : vector<1x10000x128xf32> to vector<10000x128xf32>
    %add3A = arith.addf %get3A_1, %get3A_6 : vector<10000x128xf32>
    %get3A_7 = arith.constant 1 : index
    %get3A_8 = arith.constant 0 : index
    %get3A_9 = arith.constant 0 : index
    %get3A_10 = vector.load %arg1[%get3A_7, %get3A_8, %get3A_9] : memref<2x10112x128xf32, #tpu.memory_space<vmem>>, vector<1x10000x128xf32>
    %get3A_11 = vector.shape_cast %get3A_10 : vector<1x10000x128xf32> to vector<10000x128xf32>
    %add3A_12 = arith.addf %add3A, %get3A_11 : vector<10000x128xf32>
    %get3A_13 = arith.constant 0 : index
    %get3A_14 = arith.constant 0 : index
    %get3A_15 = vector.load %arg2[%get3A_13, %get3A_14] : memref<128x128xf32, #tpu.memory_space<vmem>>, vector<128x128xf32>
    %dot_general3A = arith.constant dense<0.000000e+00> : vector<10000x128xf32>
    %dot_general3A_16 = tpu.matmul %add3A_12, %get3A_15, %dot_general3A {dimension_numbers = #tpu.dot_dimension_numbers<[1], [0], [0], [1], [0, 0, 1, 1], [], []>, transpose_lhs_hint = false} : vector<10000x128xf32>, vector<128x128xf32>, vector<10000x128xf32> -> vector<10000x128xf32>
    %get3A_17 = arith.constant 0 : index
    %get3A_18 = arith.constant 0 : index
    %get3A_19 = vector.load %arg3[%get3A_17, %get3A_18] : memref<1x128xf32, #tpu.memory_space<vmem>>, vector<1x128xf32>
    %add3A_20 = vector.broadcast %get3A_19 : vector<1x128xf32> to vector<10000x128xf32>
    %add3A_21 = arith.addf %dot_general3A_16, %add3A_20 : vector<10000x128xf32>
    %max3A = arith.constant 0.000000e+00 : f32
    %max3A_22 = vector.broadcast %max3A : f32 to vector<10000x128xf32>
    %max3A_23 = arith.maximumf %add3A_21, %max3A_22 : vector<10000x128xf32>
    %get3A_24 = arith.constant 0 : index
    %get3A_25 = arith.constant 0 : index
    %get3A_26 = vector.load %arg4[%get3A_24, %get3A_25] : memref<128x128xf32, #tpu.memory_space<vmem>>, vector<128x128xf32>
    %dot_general3A_27 = arith.constant dense<0.000000e+00> : vector<10000x128xf32>
    %dot_general3A_28 = tpu.matmul %max3A_23, %get3A_26, %dot_general3A_27 {dimension_numbers = #tpu.dot_dimension_numbers<[1], [0], [0], [1], [0, 0, 1, 1], [], []>, transpose_lhs_hint = false} : vector<10000x128xf32>, vector<128x128xf32>, vector<10000x128xf32> -> vector<10000x128xf32>
    %get3A_29 = arith.constant 0 : index
    %get3A_30 = arith.constant 0 : index
    %get3A_31 = vector.load %arg5[%get3A_29, %get3A_30] : memref<1x128xf32, #tpu.memory_space<vmem>>, vector<1x128xf32>
    %add3A_32 = vector.broadcast %get3A_31 : vector<1x128xf32> to vector<10000x128xf32>
    %add3A_33 = arith.addf %dot_general3A_28, %add3A_32 : vector<10000x128xf32>
    %reduce_sum3A = arith.constant dense<0.000000e+00> : vector<128xf32>
    %reduce_sum3A_34 = vector.multi_reduction <add>, %add3A_33, %reduce_sum3A [0] : vector<10000x128xf32> to vector<128xf32>
    %broadcast_in_dim3A = vector.shape_cast %reduce_sum3A_34 : vector<128xf32> to vector<1x128xf32>
    %div3A = arith.constant 1.000000e+04 : f32
    %div3A_35 = vector.broadcast %div3A : f32 to vector<1x128xf32>
    %div3A_36 = arith.divf %broadcast_in_dim3A, %div3A_35 : vector<1x128xf32>
    %sub3A = vector.broadcast %div3A_36 : vector<1x128xf32> to vector<10000x128xf32>
    %sub3A_37 = arith.subf %add3A_33, %sub3A : vector<10000x128xf32>
    %mul3A = arith.mulf %sub3A_37, %sub3A_37 : vector<10000x128xf32>
    %reduce_sum3A_38 = arith.constant dense<0.000000e+00> : vector<128xf32>
    %reduce_sum3A_39 = vector.multi_reduction <add>, %mul3A, %reduce_sum3A_38 [0] : vector<10000x128xf32> to vector<128xf32>
    %broadcast_in_dim3A_40 = vector.shape_cast %reduce_sum3A_39 : vector<128xf32> to vector<1x128xf32>
    %div3A_41 = arith.constant 1.000000e+04 : f32
    %div3A_42 = vector.broadcast %div3A_41 : f32 to vector<1x128xf32>
    %div3A_43 = arith.divf %broadcast_in_dim3A_40, %div3A_42 : vector<1x128xf32>
    %add3A_44 = arith.constant 9.99999974E-6 : f32
    %add3A_45 = vector.broadcast %add3A_44 : f32 to vector<1x128xf32>
    %add3A_46 = arith.addf %div3A_43, %add3A_45 : vector<1x128xf32>
    %rsqrt3A = math.rsqrt %add3A_46 : vector<1x128xf32>
    %mul3A_47 = vector.broadcast %rsqrt3A : vector<1x128xf32> to vector<10000x128xf32>
    %mul3A_48 = arith.mulf %sub3A_37, %mul3A_47 : vector<10000x128xf32>
    %get3A_49 = arith.constant 0 : index
    %get3A_50 = arith.constant 0 : index
    %get3A_51 = vector.load %arg6[%get3A_49, %get3A_50] : memref<1x128xf32, #tpu.memory_space<vmem>>, vector<1x128xf32>
    %mul3A_52 = vector.broadcast %get3A_51 : vector<1x128xf32> to vector<10000x128xf32>
    %mul3A_53 = arith.mulf %mul3A_48, %mul3A_52 : vector<10000x128xf32>
    %get3A_54 = arith.constant 0 : index
    %get3A_55 = arith.constant 0 : index
    %get3A_56 = vector.load %arg7[%get3A_54, %get3A_55] : memref<1x128xf32, #tpu.memory_space<vmem>>, vector<1x128xf32>
    %add3A_57 = vector.broadcast %get3A_56 : vector<1x128xf32> to vector<10000x128xf32>
    %add3A_58 = arith.addf %mul3A_53, %add3A_57 : vector<10000x128xf32>
    %max3A_59 = arith.constant 0.000000e+00 : f32
    %max3A_60 = vector.broadcast %max3A_59 : f32 to vector<10000x128xf32>
    %max3A_61 = arith.maximumf %add3A_58, %max3A_60 : vector<10000x128xf32>
    %add3A_62 = arith.addf %max3A_61, %get3A_1 : vector<10000x128xf32>
    %swap3A = arith.constant 0 : index
    %swap3A_63 = arith.constant 0 : index
    %swap3A_64 = vector.load %arg9[%swap3A, %swap3A_63] : memref<10000x128xf32, #tpu.memory_space<vmem>>, vector<10000x128xf32>
    tpu.vector_store %arg9[%swap3A, %swap3A_63], %add3A_62 {strides = array<i32>} : memref<10000x128xf32, #tpu.memory_space<vmem>>, vector<10000x128xf32>,
    %get3A_65 = arith.constant 0 : index
    %get3A_66 = arith.constant 0 : index
    %get3A_67 = vector.load %arg8[%get3A_65, %get3A_66] : memref<4x128xf32, #tpu.memory_space<vmem>>, vector<1x128xf32>
    %add3A_68 = vector.broadcast %get3A_67 : vector<1x128xf32> to vector<10000x128xf32>
    %add3A_69 = arith.addf %add3A_62, %add3A_68 : vector<10000x128xf32>
    %max3A_70 = arith.constant 0.000000e+00 : f32
    %max3A_71 = vector.broadcast %max3A_70 : f32 to vector<10000x128xf32>
    %max3A_72 = arith.maximumf %add3A_69, %max3A_71 : vector<10000x128xf32>
    %swap3A_73 = arith.constant 0 : index
    %swap3A_74 = arith.constant 0 : index
    %swap3A_75 = vector.load %arg10[%swap3A_73, %swap3A_74] : memref<40000x128xf32, #tpu.memory_space<vmem>>, vector<10000x128xf32>
    tpu.vector_store %arg10[%swap3A_73, %swap3A_74], %max3A_72 {strides = array<i32>} : memref<40000x128xf32, #tpu.memory_space<vmem>>, vector<10000x128xf32>,
    %get3A_76 = arith.constant 1 : index
    %get3A_77 = arith.constant 0 : index
    %get3A_78 = vector.load %arg8[%get3A_76, %get3A_77] : memref<4x128xf32, #tpu.memory_space<vmem>>, vector<1x128xf32>
    %add3A_79 = vector.broadcast %get3A_78 : vector<1x128xf32> to vector<10000x128xf32>
    %add3A_80 = arith.addf %add3A_62, %add3A_79 : vector<10000x128xf32>
    %max3A_81 = arith.constant 0.000000e+00 : f32
    %max3A_82 = vector.broadcast %max3A_81 : f32 to vector<10000x128xf32>
    %max3A_83 = arith.maximumf %add3A_80, %max3A_82 : vector<10000x128xf32>
    %swap3A_84 = arith.constant 10000 : index
    %swap3A_85 = arith.constant 0 : index
    %swap3A_86 = vector.load %arg10[%swap3A_84, %swap3A_85] : memref<40000x128xf32, #tpu.memory_space<vmem>>, vector<10000x128xf32>
    tpu.vector_store %arg10[%swap3A_84, %swap3A_85], %max3A_83 {strides = array<i32>} : memref<40000x128xf32, #tpu.memory_space<vmem>>, vector<10000x128xf32>,
    %get3A_87 = arith.constant 2 : index
    %get3A_88 = arith.constant 0 : index
    %get3A_89 = vector.load %arg8[%get3A_87, %get3A_88] : memref<4x128xf32, #tpu.memory_space<vmem>>, vector<1x128xf32>
    %add3A_90 = vector.broadcast %get3A_89 : vector<1x128xf32> to vector<10000x128xf32>
    %add3A_91 = arith.addf %add3A_62, %add3A_90 : vector<10000x128xf32>
    %max3A_92 = arith.constant 0.000000e+00 : f32
    %max3A_93 = vector.broadcast %max3A_92 : f32 to vector<10000x128xf32>
    %max3A_94 = arith.maximumf %add3A_91, %max3A_93 : vector<10000x128xf32>
    %swap3A_95 = arith.constant 20000 : index
    %swap3A_96 = arith.constant 0 : index
    %swap3A_97 = vector.load %arg10[%swap3A_95, %swap3A_96] : memref<40000x128xf32, #tpu.memory_space<vmem>>, vector<10000x128xf32>
    tpu.vector_store %arg10[%swap3A_95, %swap3A_96], %max3A_94 {strides = array<i32>} : memref<40000x128xf32, #tpu.memory_space<vmem>>, vector<10000x128xf32>,
    %get3A_98 = arith.constant 3 : index
    %get3A_99 = arith.constant 0 : index
    %get3A_100 = vector.load %arg8[%get3A_98, %get3A_99] : memref<4x128xf32, #tpu.memory_space<vmem>>, vector<1x128xf32>
    %add3A_101 = vector.broadcast %get3A_100 : vector<1x128xf32> to vector<10000x128xf32>
    %add3A_102 = arith.addf %add3A_62, %add3A_101 : vector<10000x128xf32>
    %max3A_103 = arith.constant 0.000000e+00 : f32
    %max3A_104 = vector.broadcast %max3A_103 : f32 to vector<10000x128xf32>
    %max3A_105 = arith.maximumf %add3A_102, %max3A_104 : vector<10000x128xf32>
    %swap3A_106 = arith.constant 30000 : index
    %swap3A_107 = arith.constant 0 : index
    %swap3A_108 = vector.load %arg10[%swap3A_106, %swap3A_107] : memref<40000x128xf32, #tpu.memory_space<vmem>>, vector<10000x128xf32>
    tpu.vector_store %arg10[%swap3A_106, %swap3A_107], %max3A_105 {strides = array<i32>} : memref<40000x128xf32, #tpu.memory_space<vmem>>, vector<10000x128xf32>,
    return
  }
}

module attributes {stable_mosaic.version = 14 : i64} {
  func.func @_final_body(%arg0: memref<10000x128xf32, #tpu.memory_space<vmem>>, %arg1: memref<2x10112x128xf32, #tpu.memory_space<vmem>>, %arg2: memref<128x128xf32, #tpu.memory_space<vmem>>, %arg3: memref<1x128xf32, #tpu.memory_space<vmem>>, %arg4: memref<128x128xf32, #tpu.memory_space<vmem>>, %arg5: memref<1x128xf32, #tpu.memory_space<vmem>>, %arg6: memref<1x128xf32, #tpu.memory_space<vmem>>, %arg7: memref<1x128xf32, #tpu.memory_space<vmem>>, %arg8: memref<10000x1xi32, #tpu.memory_space<vmem>>, %arg9: memref<128x256xf32, #tpu.memory_space<vmem>>, %arg10: memref<1x256xf32, #tpu.memory_space<vmem>>, %arg11: memref<256x1xf32, #tpu.memory_space<vmem>>, %arg12: memref<1x1xf32, #tpu.memory_space<vmem>>, %arg13: memref<64x1xf32, #tpu.memory_space<vmem>>) attributes {dimension_semantics = [], scalar_prefetch = 0 : i64, scratch_operands = 0 : i64, tpu.core_type = #tpu.core_type<tc>} {
    %get3A = arith.constant 0 : index
    %get3A_0 = arith.constant 0 : index
    %get3A_1 = vector.load %arg0[%get3A, %get3A_0] : memref<10000x128xf32, #tpu.memory_space<vmem>>, vector<10000x128xf32>
    %get3A_2 = arith.constant 0 : index
    %get3A_3 = arith.constant 0 : index
    %get3A_4 = arith.constant 0 : index
    %get3A_5 = vector.load %arg1[%get3A_2, %get3A_3, %get3A_4] : memref<2x10112x128xf32, #tpu.memory_space<vmem>>, vector<1x10000x128xf32>
    %get3A_6 = vector.shape_cast %get3A_5 : vector<1x10000x128xf32> to vector<10000x128xf32>
    %add3A = arith.addf %get3A_1, %get3A_6 : vector<10000x128xf32>
    %get3A_7 = arith.constant 1 : index
    %get3A_8 = arith.constant 0 : index
    %get3A_9 = arith.constant 0 : index
    %get3A_10 = vector.load %arg1[%get3A_7, %get3A_8, %get3A_9] : memref<2x10112x128xf32, #tpu.memory_space<vmem>>, vector<1x10000x128xf32>
    %get3A_11 = vector.shape_cast %get3A_10 : vector<1x10000x128xf32> to vector<10000x128xf32>
    %add3A_12 = arith.addf %add3A, %get3A_11 : vector<10000x128xf32>
    %get3A_13 = arith.constant 0 : index
    %get3A_14 = arith.constant 0 : index
    %get3A_15 = vector.load %arg2[%get3A_13, %get3A_14] : memref<128x128xf32, #tpu.memory_space<vmem>>, vector<128x128xf32>
    %dot_general3A = arith.constant dense<0.000000e+00> : vector<10000x128xf32>
    %dot_general3A_16 = tpu.matmul %add3A_12, %get3A_15, %dot_general3A {dimension_numbers = #tpu.dot_dimension_numbers<[1], [0], [0], [1], [0, 0, 1, 1], [], []>, transpose_lhs_hint = false} : vector<10000x128xf32>, vector<128x128xf32>, vector<10000x128xf32> -> vector<10000x128xf32>
    %get3A_17 = arith.constant 0 : index
    %get3A_18 = arith.constant 0 : index
    %get3A_19 = vector.load %arg3[%get3A_17, %get3A_18] : memref<1x128xf32, #tpu.memory_space<vmem>>, vector<1x128xf32>
    %add3A_20 = vector.broadcast %get3A_19 : vector<1x128xf32> to vector<10000x128xf32>
    %add3A_21 = arith.addf %dot_general3A_16, %add3A_20 : vector<10000x128xf32>
    %max3A = arith.constant 0.000000e+00 : f32
    %max3A_22 = vector.broadcast %max3A : f32 to vector<10000x128xf32>
    %max3A_23 = arith.maximumf %add3A_21, %max3A_22 : vector<10000x128xf32>
    %get3A_24 = arith.constant 0 : index
    %get3A_25 = arith.constant 0 : index
    %get3A_26 = vector.load %arg4[%get3A_24, %get3A_25] : memref<128x128xf32, #tpu.memory_space<vmem>>, vector<128x128xf32>
    %dot_general3A_27 = arith.constant dense<0.000000e+00> : vector<10000x128xf32>
    %dot_general3A_28 = tpu.matmul %max3A_23, %get3A_26, %dot_general3A_27 {dimension_numbers = #tpu.dot_dimension_numbers<[1], [0], [0], [1], [0, 0, 1, 1], [], []>, transpose_lhs_hint = false} : vector<10000x128xf32>, vector<128x128xf32>, vector<10000x128xf32> -> vector<10000x128xf32>
    %get3A_29 = arith.constant 0 : index
    %get3A_30 = arith.constant 0 : index
    %get3A_31 = vector.load %arg5[%get3A_29, %get3A_30] : memref<1x128xf32, #tpu.memory_space<vmem>>, vector<1x128xf32>
    %add3A_32 = vector.broadcast %get3A_31 : vector<1x128xf32> to vector<10000x128xf32>
    %add3A_33 = arith.addf %dot_general3A_28, %add3A_32 : vector<10000x128xf32>
    %reduce_sum3A = arith.constant dense<0.000000e+00> : vector<128xf32>
    %reduce_sum3A_34 = vector.multi_reduction <add>, %add3A_33, %reduce_sum3A [0] : vector<10000x128xf32> to vector<128xf32>
    %broadcast_in_dim3A = vector.shape_cast %reduce_sum3A_34 : vector<128xf32> to vector<1x128xf32>
    %div3A = arith.constant 1.000000e+04 : f32
    %div3A_35 = vector.broadcast %div3A : f32 to vector<1x128xf32>
    %div3A_36 = arith.divf %broadcast_in_dim3A, %div3A_35 : vector<1x128xf32>
    %sub3A = vector.broadcast %div3A_36 : vector<1x128xf32> to vector<10000x128xf32>
    %sub3A_37 = arith.subf %add3A_33, %sub3A : vector<10000x128xf32>
    %mul3A = arith.mulf %sub3A_37, %sub3A_37 : vector<10000x128xf32>
    %reduce_sum3A_38 = arith.constant dense<0.000000e+00> : vector<128xf32>
    %reduce_sum3A_39 = vector.multi_reduction <add>, %mul3A, %reduce_sum3A_38 [0] : vector<10000x128xf32> to vector<128xf32>
    %broadcast_in_dim3A_40 = vector.shape_cast %reduce_sum3A_39 : vector<128xf32> to vector<1x128xf32>
    %div3A_41 = arith.constant 1.000000e+04 : f32
    %div3A_42 = vector.broadcast %div3A_41 : f32 to vector<1x128xf32>
    %div3A_43 = arith.divf %broadcast_in_dim3A_40, %div3A_42 : vector<1x128xf32>
    %add3A_44 = arith.constant 9.99999974E-6 : f32
    %add3A_45 = vector.broadcast %add3A_44 : f32 to vector<1x128xf32>
    %add3A_46 = arith.addf %div3A_43, %add3A_45 : vector<1x128xf32>
    %rsqrt3A = math.rsqrt %add3A_46 : vector<1x128xf32>
    %mul3A_47 = vector.broadcast %rsqrt3A : vector<1x128xf32> to vector<10000x128xf32>
    %mul3A_48 = arith.mulf %sub3A_37, %mul3A_47 : vector<10000x128xf32>
    %get3A_49 = arith.constant 0 : index
    %get3A_50 = arith.constant 0 : index
    %get3A_51 = vector.load %arg6[%get3A_49, %get3A_50] : memref<1x128xf32, #tpu.memory_space<vmem>>, vector<1x128xf32>
    %mul3A_52 = vector.broadcast %get3A_51 : vector<1x128xf32> to vector<10000x128xf32>
    %mul3A_53 = arith.mulf %mul3A_48, %mul3A_52 : vector<10000x128xf32>
    %get3A_54 = arith.constant 0 : index
    %get3A_55 = arith.constant 0 : index
    %get3A_56 = vector.load %arg7[%get3A_54, %get3A_55] : memref<1x128xf32, #tpu.memory_space<vmem>>, vector<1x128xf32>
    %add3A_57 = vector.broadcast %get3A_56 : vector<1x128xf32> to vector<10000x128xf32>
    %add3A_58 = arith.addf %mul3A_53, %add3A_57 : vector<10000x128xf32>
    %max3A_59 = arith.constant 0.000000e+00 : f32
    %max3A_60 = vector.broadcast %max3A_59 : f32 to vector<10000x128xf32>
    %max3A_61 = arith.maximumf %add3A_58, %max3A_60 : vector<10000x128xf32>
    %add3A_62 = arith.addf %max3A_61, %get3A_1 : vector<10000x128xf32>
    %iota3A = tpu.iota {dimensions = array<i32: 1>} : vector<10000x64xi32>
    %get3A_63 = arith.constant 0 : index
    %get3A_64 = arith.constant 0 : index
    %get3A_65 = vector.load %arg8[%get3A_63, %get3A_64] : memref<10000x1xi32, #tpu.memory_space<vmem>>, vector<10000x1xi32>
    %eq3A = vector.broadcast %get3A_65 : vector<10000x1xi32> to vector<10000x64xi32>
    %eq3A_66 = arith.cmpi eq, %eq3A, %iota3A : vector<10000x64xi32>
    %convert_element_type3A = arith.extui %eq3A_66 : vector<10000x64xi1> to vector<10000x64xi32>
    %convert_element_type3A_67 = arith.sitofp %convert_element_type3A : vector<10000x64xi32> to vector<10000x64xf32>
    %dot_general3A_68 = arith.constant dense<0.000000e+00> : vector<64x128xf32>
    %dot_general3A_69 = tpu.matmul %convert_element_type3A_67, %add3A_62, %dot_general3A_68 {dimension_numbers = #tpu.dot_dimension_numbers<[0], [0], [1], [1], [0, 1, 1, 1], [], []>, transpose_lhs_hint = false} : vector<10000x64xf32>, vector<10000x128xf32>, vector<64x128xf32> -> vector<64x128xf32>
    %get3A_70 = arith.constant 0 : index
    %get3A_71 = arith.constant 0 : index
    %get3A_72 = vector.load %arg9[%get3A_70, %get3A_71] : memref<128x256xf32, #tpu.memory_space<vmem>>, vector<128x256xf32>
    %dot_general3A_73 = arith.constant dense<0.000000e+00> : vector<64x256xf32>
    %dot_general3A_74 = tpu.matmul %dot_general3A_69, %get3A_72, %dot_general3A_73 {dimension_numbers = #tpu.dot_dimension_numbers<[1], [0], [0], [1], [0, 0, 1, 1], [], []>, transpose_lhs_hint = false} : vector<64x128xf32>, vector<128x256xf32>, vector<64x256xf32> -> vector<64x256xf32>
    %get3A_75 = arith.constant 0 : index
    %get3A_76 = arith.constant 0 : index
    %get3A_77 = vector.load %arg10[%get3A_75, %get3A_76] : memref<1x256xf32, #tpu.memory_space<vmem>>, vector<1x256xf32>
    %add3A_78 = vector.broadcast %get3A_77 : vector<1x256xf32> to vector<64x256xf32>
    %add3A_79 = arith.addf %dot_general3A_74, %add3A_78 : vector<64x256xf32>
    %max3A_80 = arith.constant 0.000000e+00 : f32
    %max3A_81 = vector.broadcast %max3A_80 : f32 to vector<64x256xf32>
    %max3A_82 = arith.maximumf %add3A_79, %max3A_81 : vector<64x256xf32>
    %get3A_83 = arith.constant 0 : index
    %get3A_84 = arith.constant 0 : index
    %get3A_85 = vector.load %arg11[%get3A_83, %get3A_84] : memref<256x1xf32, #tpu.memory_space<vmem>>, vector<256x1xf32>
    %dot_general3A_86 = arith.constant dense<0.000000e+00> : vector<64x1xf32>
    %dot_general3A_87 = tpu.matmul %max3A_82, %get3A_85, %dot_general3A_86 {dimension_numbers = #tpu.dot_dimension_numbers<[1], [0], [0], [1], [0, 0, 1, 1], [], []>, transpose_lhs_hint = false} : vector<64x256xf32>, vector<256x1xf32>, vector<64x1xf32> -> vector<64x1xf32>
    %get3A_88 = arith.constant 0 : index
    %get3A_89 = arith.constant 0 : index
    %get3A_90 = vector.load %arg12[%get3A_88, %get3A_89] : memref<1x1xf32, #tpu.memory_space<vmem>>, vector<1x1xf32>
    %add3A_91 = vector.broadcast %get3A_90 : vector<1x1xf32> to vector<64x1xf32>
    %add3A_92 = arith.addf %dot_general3A_87, %add3A_91 : vector<64x1xf32>
    %swap3A = arith.constant 0 : index
    %swap3A_93 = arith.constant 0 : index
    %swap3A_94 = vector.load %arg13[%swap3A, %swap3A_93] : memref<64x1xf32, #tpu.memory_space<vmem>>, vector<64x1xf32>
    tpu.vector_store %arg13[%swap3A, %swap3A_93], %add3A_92 {strides = array<i32>} : memref<64x1xf32, #tpu.memory_space<vmem>>, vector<64x1xf32>,
    return
  }
}

</mosaic_0001>

<sc_bundles>
// kernel: kernel.13.cloned.1.call-start
scs
__scs_entry_jumppad:
0x0: {  	(pc) =	sbr.rel $0x88, $3  }
0x1: {  	(tag) =	ssettag $0x0;
	lr =	simm.s32 $0x1  }
0x2: {  	[smem:$0x3F91] =	sst lr;
	_ =	strace $0xD0000000  }
0x3: {  	_ = 	snop  }
0x4: {  	_ = 	snop  }
0x5: {  	_ = 	snop  }
0x6: {  	_ = 	snop  }
0x7: {  	_ = 	snop  }
__scs_overlays_trampoline_lowered:
0x8: {  	[smem:$0x3FA0] =	sst s0  }
0x9: {  	[smem:$0x3FA1] =	sst s1  }
0xa: {  	[smem:$0x3FA2] =	sst s2  }
0xb: {  	[smem:$0x3FA3] =	sst s3  }
0xc: {  	[smem:$0x3FA4] =	sst s4  }
0xd: {  	[smem:$0x3FA5] =	sst s5  }
0xe: {  	[smem:$0x3FA6] =	sst s6  }
0xf: {  	[smem:$0x3FA7] =	sst s7  }
0x10: {  	[smem:$0x3FA8] =	sst s8  }
0x11: {  	[smem:$0x3FA9] =	sst s9;
	s0 =	simm.s32 @!p0 $0x0  }
0x12: {  	s1 =	sld [smem:$0x3F8F];
	s0 =	simm.s32 @p0 $0x1  }
0x13: {  	[smem:$0x3FAA] =	sst s0;
	s0 =	simm.s32 @!p1 $0x0  }
0x14: {  	s2 =	sld [smem:$0x3F8E];
	s0 =	simm.s32 @p1 $0x1  }
0x15: {  	[smem:$0x3FAB] =	sst s0;
	s0 =	simm.s32 @!p2 $0x0  }
0x16: {  	s3 =	sld [smem:$0x3FDB];
	s0 =	simm.s32 @p2 $0x1  }
0x17: {  	s4 =	simm.s32 $0x1BF5;
	[smem:$0x3FAD] =	sst s0  }
0x18: {  	s0 =	sld [smem:$0x3F90];
	_ =	swait.ge [sflag:s4], $0x0  }
0x19: {  	s7 =	sld [smem:$0x3F91]  }
0x1a: {  	s8 =	sadd.s32 $0xFFFFE003, lr  }
0x1b: {  	s9 =	sadd.s32 $0xFFFFFEF7, lr;
	s5 =	simm.s32 $0xFFFFFFFF;
	p2 =	slt.u32 s8, $0xFFFFF086  }
0x1c: {  	p1 =	slt.u32 s9, $0xF7A;
	s5 =	simm.s32 @!p2 $0x0  }
0x1d: {  	s5 =	simm.s32 @p1 $0x1;
	p0 =	seq.s32 s7, s2  }
0x1e: {  	s7 =	smul.u32 @!p0 $0xF7A, s2;
	p2 =	seq.s32 @!p0 s5, $0x0  }
0x1f: {  	s9 =	smul.u32 $0xF7A, s1;
	s8 =	simm.s32 @!p0 $0x1BF5;
	p2 =	por !p2, p0  }
0x20: {  	[sflag:s8] =	ssyncset.s32 @!p0 $0xFFFFF086;
	s6 =	sadd.s32 @!p0 s3, s7;
	s7 =	simm.s32 @!p0 $0x108  }
0x21: {  	s3 =	sadd.s32 s3, s9;
	s6 =	sadd.s32 @!p0 $0x88, s6;
	s7 =	simm.s32 @p2 $0x1082  }
0x22: {  	[simem:s7], [sflag:s8] =	dma.local @!p0 [hbm:s6], $0xF7A  }
0x23: {  	s9 =	sor.u32 $0xD0000000, s2;
	s6 =	simm.s32 $0x108;
	_ =	swait.ge @!p0 [sflag:s8], $0x0  }
0x24: {  	s3 =	sadd.s32 $0x88, s3;
	s6 =	simm.s32 @!p1 $0x1082;
	[sflag:s4] =	ssyncset.s32 $0xFFFFF086  }
0x25: {  	[simem:s6], [sflag:s4] =	dma.local [hbm:s3], $0xF7A  }
0x26: {  	[smem:$0x3F91] =	sst s1;
	(tag) =	ssettag s2;
	_ =	strace s9  }
0x27: {  	s1 =	sld [smem:$0x3FA1]  }
0x28: {  	s2 =	sld [smem:$0x3FA2]  }
0x29: {  	s4 =	sld [smem:$0x3FA4]  }
0x2a: {  	p0 =	seq.s32 s5, $0x0;
	s5 =	sld [smem:$0x3FA5]  }
0x2b: {  	s6 =	sld [smem:$0x3FA6]  }
0x2c: {  	s7 =	sld [smem:$0x3FA7]  }
0x2d: {  	s3 =	simm.s32 $0x108;
	s8 =	sld [smem:$0x3FA8]  }
0x2e: {  	s3 =	simm.s32 @!p0 $0x1082;
	s9 =	sld [smem:$0x3FA9]  }
0x2f: {  	lr =	sadd.s32 s0, s3;
	s0 =	sld [smem:$0x3FA0]  }
0x30: {  	s3 =	sld [smem:$0x3FA3]  }
0x31: {  	[smem:$0x3FAC] =	sst s10  }
0x32: {  	s10 =	sld [smem:$0x3FAA];
	_ =	sdelay $0x3  }
0x33: {  	p0 =	seq.s32 s10, $0x1;
	s10 =	sld [smem:$0x3FAC];
	_ =	sdelay $0x3  }
0x34: {  	[smem:$0x3FAC] =	sst s10  }
0x35: {  	s10 =	sld [smem:$0x3FAB];
	_ =	sdelay $0x3  }
0x36: {  	p1 =	seq.s32 s10, $0x1;
	s10 =	sld [smem:$0x3FAC];
	_ =	sdelay $0x3  }
0x37: {  	[smem:$0x3FAC] =	sst s10  }
0x38: {  	s10 =	sld [smem:$0x3FAD]  }
0x39: {  	_ = 	snop;
	(pc) =	sbr.ind lr, $3  }
0x3a: {  	_ = 	snop  }
0x3b: {  	_ = 	snop  }
0x3c: {  	p2 =	seq.s32 s10, $0x1;
	s10 =	sld [smem:$0x3FAC]  }
0x3d: {  	_ =	shalt  }
0x3e: {  	_ =	shalt  }
0x3f: {  	_ =	shalt  }
0x40: {  	_ =	shalt  }
0x41: {  	_ =	shalt  }
0x42: {  	_ =	shalt  }
0x43: {  	_ =	shalt  }
0x44: {  	_ =	shalt  }
0x45: {  	_ =	shalt  }
0x46: {  	_ =	shalt  }
0x47: {  	_ =	shalt  }
0x48: {  	_ =	shalt  }
0x49: {  	_ =	shalt  }
0x4a: {  	_ =	shalt  }
0x4b: {  	_ =	shalt  }
0x4c: {  	_ =	shalt  }
0x4d: {  	_ =	shalt  }
0x4e: {  	_ =	shalt  }
0x4f: {  	_ =	shalt  }
0x50: {  	_ =	shalt  }
0x51: {  	_ =	shalt  }
0x52: {  	_ =	shalt  }
0x53: {  	_ =	shalt  }
0x54: {  	_ =	shalt  }
0x55: {  	_ =	shalt  }
0x56: {  	_ =	shalt  }
0x57: {  	_ =	shalt  }
0x58: {  	_ =	shalt  }
0x59: {  	_ =	shalt  }
0x5a: {  	_ =	shalt  }
0x5b: {  	_ =	shalt  }
0x5c: {  	_ =	shalt  }
0x5d: {  	_ =	shalt  }
0x5e: {  	_ =	shalt  }
0x5f: {  	_ =	shalt  }
0x60: {  	_ =	shalt  }
0x61: {  	_ =	shalt  }
0x62: {  	_ =	shalt  }
0x63: {  	_ =	shalt  }
0x64: {  	_ =	shalt  }
0x65: {  	_ =	shalt  }
0x66: {  	_ =	shalt  }
0x67: {  	_ =	shalt  }
0x68: {  	_ =	shalt  }
0x69: {  	_ =	shalt  }
0x6a: {  	_ =	shalt  }
0x6b: {  	_ =	shalt  }
0x6c: {  	_ =	shalt  }
0x6d: {  	_ =	shalt  }
0x6e: {  	_ =	shalt  }
0x6f: {  	_ =	shalt  }
0x70: {  	_ =	shalt  }
0x71: {  	_ =	shalt  }
0x72: {  	_ =	shalt  }
0x73: {  	_ =	shalt  }
0x74: {  	_ =	shalt  }
0x75: {  	_ =	shalt  }
0x76: {  	_ =	shalt  }
0x77: {  	_ =	shalt  }
0x78: {  	_ =	shalt  }
0x79: {  	_ =	shalt  }
0x7a: {  	_ =	shalt  }
0x7b: {  	_ =	shalt  }
0x7c: {  	_ =	shalt  }
0x7d: {  	_ =	shalt  }
0x7e: {  	_ =	shalt  }
0x7f: {  	_ =	shalt  }
0x80: {  	_ =	shalt  }
0x81: {  	_ =	shalt  }
0x82: {  	_ =	shalt  }
0x83: {  	_ =	shalt  }
0x84: {  	_ =	shalt  }
0x85: {  	_ =	shalt  }
0x86: {  	_ =	shalt  }
0x87: {  	_ =	shalt  }
.Lfunc_end0:
.L_simem_size_0:
called_computation_lowered:
.L_overlay_start_0:
0x88: {  	s2 =	sld [smem:$0x3FD9]  }
0x89: {  	s3 =	sld [smem:$0x3FFE];
	_ =	sdelay $0x1  }
0x8a: {  	s1 =	srdreg.scid  }
0x8b: {  	s0 =	sand.u32 $0x1, s1  }
0x8c: {  	s16 =	sshll.u32 s0, $0xA;
	s2 =	sadd.s32 s3, s2  }
0x8d: {  	s2 =	sadd.s32 s2, s16  }
0x8e: {  	[smem:$0x3FB8] =	sst s2  }
0x8f: {  	_ = 	snop  }
0x90: {  	(tm) =	ssettm $0x1  }
0x91: {  	s17 =	sld [smem:$0x3FFB];
	_ =	sdelay $0x3  }
0x92: {  	_ =	strace s17  }
0x93: {  	s2 =	sld [smem:$0x3FFC];
	_ =	sdelay $0x3  }
0x94: {  	_ =	strace s2  }
0x95: {  	s2 =	sld [smem:$0x3FFD];
	_ =	sdelay $0x3  }
0x96: {  	_ =	strace s2  }
0x97: {  	_ =	strace $0x8FFFFFFF  }
0x98: {  	s18 =	sld [smem:$0x3FDB];
	_ =	sdelay $0x1  }
0x99: {  	s19 =	simm.s32 $_scs_section_size  }
0x9a: {  	s4 =	simm.s32 $_size__tile_overlayer_lowered;
	s5 =	simm.s32 $_tile_overlayer_lowered  }
0x9b: {  	s22 =	simm.s32 $0x1BFF;
	s21 =	sshll.u32 s5, $0x1;
	s2 =	sadd.s32 s19, s18  }
0x9c: {  	s6 =	simm.s32 $0x0;
	s20 =	sshll.u32 s4, $0x1;
	s4 =	sadd.s32 s21, s2  }
0x9d: {  	[timem:s6], [sflag:s22] =	dma.local [hbm:s4], s20  }
0x9e: {  	_ =	swait.ge [sflag:s22], s20  }
0x9f: {  	s3 =	ssub.s32 $0x0, s20;
	[sflag:s22] =	ssyncset.done $0x0  }
0xa0: {  	[sflag:s22] =	ssyncadd.s32 s3;
	_ =	sdelay $0x1  }
0xa1: {  	s23 =	simm.s32 $0x1B8B  }
0xa2: {  	_ =	swait.ge [sflag:s23], $0x1  }
0xa3: {  	[sflag:s23] =	ssyncset.done $0x0  }
0xa4: {  	s25 =	simm.s32 $0x1B8E;
	s24 =	sld [smem:$0x3FFE];
	[sflag:s23] =	ssyncadd.s32 $0xFFFFFFFF  }
0xa5: {  	s26 =	simm.s32 $execute0_lowered;
	[smem:$0x3FD2] =	sst s25  }
0xa6: {  	s4 =	sshll.u32 s26, $0x1;
	_ =	strace $0x80000046;
	[dreg:$0x1] =	wrdreg $0xFFFFFFFF  }
0xa7: {  	s28 =	simm.s32 $_size_execute0_lowered;
	s2 =	sadd.s32 s2, s4;
	[dreg:$0x0] =	wrdreg $0x0  }
0xa8: {  	s4 =	sshll.u32 s28, $0x1;
	[dreg:$0x2] =	wrdreg s2  }
0xa9: {  	[dreg:$0x3] =	wrdreg s4  }
0xaa: {  	[dreg:$0x4] =	wrdreg $0xC0  }
0xab: {  	_ =	task [dreg:s6], $0x5FFFF  }
0xac: {  	[dreg:$0x1] =	wrdreg $0xFFFFFFFF  }
0xad: {  	[dreg:$0x0] =	wrdreg $0x60  }
0xae: {  	[dreg:$0x2] =	wrdreg s24  }
0xaf: {  	[dreg:$0x3] =	wrdreg $0x90000  }
0xb0: {  	[dreg:$0x4] =	wrdreg $0x9  }
0xb1: {  	_ =	task.clear_ibuf [dreg:s6], $0x5FFFF;
	_ =	strace $0x90000046  }
0xb2: {  	s29 =	simm.s32 $0x9;
	_ =	strace $0x80000048  }
0xb3: {  	_ =	swait.ge [sflag:s29], $0x1  }
0xb4: {  	[sflag:s29] =	ssyncadd.s32 $0xFFFFFFFF  }
0xb5: {  	_ =	strace $0x90000048  }
0xb6: {  	_ =	sfence  }
0xb7: {  	s30 =	sld [smem:$0x0];
	_ =	sdelay $0x2  }
0xb8: {  	s31 =	sshll.u32 s1, $0xD;
	s1 =	sshrl.u32 s1, $0x2  }
0xb9: {  	s3 =	sand.u32 $0x4000, s31;
	s1 =	sadd.s32 s1, s30  }
0xba: {  	s0 =	sor.u32 s3, s0;
	s1 =	sshll.u32 s1, $0x11  }
0xbb: {  	s0 =	sor.u32 s1, s0  }
0xbc: {  	s0 =	sadd.s32 $0x8F2B, s0  }
0xbd: {  	[sflag:s0] =	ssyncadd.remote.s32 $0x1  }
0xbe: {  	_ =	sfence.sel $0xFFFF  }
0xbf: {  	[dreg:$0x0] =	wrdreg $0xFFFFFFFF;
	(pc) =	sbr.abs _section_cstart, $3  }
0xc0: {  	[dreg:$0x1] =	wrdreg $0xFFFFFFFF  }
0xc1: {  	_ =	task.clear_ibuf [dreg:s6], $0x2FFFF;
	_ =	strace $0x9FFFFFFF  }
0xc2: {  	(tm) =	ssettm $0x7FFFFFFF  }
0xc3: {  	_ =	shalt  }
tec
execute0_lowered:
.L_overlay_start_1:
0x0: {  	(tag) =	ssettag $0x1  }
0x1: {  	s0 =	srdreg.scid;
	s6 =	rddreg [dreg:$0x0]  }
0x2: {  	s2 =	rddreg [dreg:$0x1];
	s3 =	simm.s32 $0x0;
	s14 =	simm.s32 $0x80  }
0x3: {  	s15 =	simm.s32 $0x5000;
	s5 =	sand.u32 $0x1, s0;
	s0 =	stileid.u32  }
0x4: {  	s16 =	simm.s32 $0x1;
	s17 =	simm.s32 $0x0;
	s8 =	smul.u32 $0x13C00, s0  }
0x5: {  	[smem:$0x7FF] =	sst s3;
	s1 =	sshll.u32 s5, $0x4;
	s9 =	smul.u32 $0x13C000, s5  }
0x6: {  	s5 =	ssub.s32 $0x2, s5;
	s31 =	smul.u32 $0x4F000, s0;
	s12 =	sshll.u32 s0, $0x6  }
0x7: {  	s4 =	sor.u32 s0, s1;
	s1 =	rddreg [dreg:$0x2];
	_ =	strace $0x80000047  }
0x8: {  	s11 =	sshrl.u32 s5, $0x1;
	s12 =	sor.u32 $0x1C02, s12;
	s7 =	smul.u32 $0x500, s4  }
0x9: {  	s4 =	sadd.s32 $0x5200, s6;
	s10 =	sshrl.u32 s8, $0x3;
	s8 =	sadd.s32 s8, s9  }
0xa: {  	s11 =	ssub.s32 s5, s11;
	s9 =	sshrl.u32 s31, $0x2;
	s10 =	sadd.s32 s10, s6  }
0xb: {  	s8 =	sshrl.u32 s8, $0x3;
	s13 =	sadd.s32 s9, s2;
	s9 =	smax.u32 s11, $0x1  }
0xc: {  	s11 =	simm.s32 $0x2800;
	s7 =	sadd.s32 s7, s6;
	s8 =	sadd.s32 s8, s6  }
0xd: {  	s13 =	sshrl.u32 s13, $0x3;
	s5 =	sadd.s32 $0xA1600, s7;
	s6 =	sadd.s32 $0xAB600, s7  }
0xe: {  	s7 =	sadd.s32 $0xB5600, s10;
	s8 =	sadd.s32 $0xDCE00, s8;
	s10 =	simm.s32 $0x2  }
.LBB2_1:
0xf: {  	[tilespmem:s3], [sflag:$0x2] =	stream.linear.gather [hbm4b:s5+s3], $0x2780, $0x38;
	[tilespmem:$0x1CC00] =	vst v63  }
0x10: {  	_ =	swait.ge [sflag:s10], $0x2780  }
0x11: {  	[sflag:s10] =	ssyncset.done $0x0  }
0x12: {  	[sflag:s10] =	ssyncadd.s32 $0xFFFFD880  }
0x13: {  	[tilespmem:s11], [sflag:$0x2] =	stream.linear.gather [hbm4b:s6+s3], $0x2780, $0x38;
	[tilespmem:$0x1CC00] =	vst v63  }
0x14: {  	_ =	swait.ge [sflag:s10], $0x2780  }
0x15: {  	[sflag:s10] =	ssyncset.done $0x0  }
0x16: {  	[sflag:s10] =	ssyncadd.s32 $0xFFFFD880  }
0x17: {  	[spmem:s13], [sflag:s12] =	dma.local [hbm:s7], $0x2780  }
0x18: {  	_ =	swait.ge [sflag:s10], $0x2780  }
0x19: {  	[sflag:s10] =	ssyncset.done $0x0  }
0x1a: {  	[sflag:s10] =	ssyncadd.s32 $0xFFFFD880  }
0x1b: {  	s18 =	simm.s32 $0x0;
	[bflag:$0x0] =	sbarrier.arrive $0xFFFF  }
0x1c: {  	[tilespmem:s15], [sflag:$0x1] =	stream.indirect.gather [hbm4b:s4+s14], $0x80, s18, s14, $0xb8;
	[tilespmem:$0x1CC00] =	vst v63  }
0x1d: {  	_ =	swait.ge [sflag:s16], $0x4000  }
0x1e: {  	[sflag:s16] =	ssyncset.done $0x0  }
0x1f: {  	s31 =	simm.s32 $0x2800;
	[sflag:s16] =	ssyncadd.s32 $0xFFFFC000  }
0x20: {  	[spmem:s2] =	stream.indirect.scatter.add.f32 [tilespmem:s15], [sflag:$0x2], $0x80, s31, s14, $0xb8;
	[tilespmem:$0x1CC00] =	vst v63  }
0x21: {  	_ =	swait.ge [sflag:s10], $0x4000  }
0x22: {  	s19 =	simm.s32 $0x400;
	s18 =	simm.s32 $0x200;
	[sflag:s10] =	ssyncset.done $0x0  }
.LBB2_2:
0x23: {  	s20 =	sshra.s32 s18, $0x2  }
0x24: {  	[sflag:s10] =	ssyncadd.s32 $0xFFFFC000;
	s18 =	smov.u32 s19;
	s21 =	sadd.s32 $0x200, s19  }
0x25: {  	[tilespmem:s15], [sflag:$0x1] =	stream.indirect.gather [hbm4b:s4+s14], $0x80, s20, s14, $0xb8;
	[tilespmem:$0x1CC00] =	vst v63  }
0x26: {  	p0 =	sne.s32 s19, $0x9C00;
	_ =	swait.ge [sflag:s16], $0x4000  }
.Ltmp0:
0x27: {  	[sflag:s16] =	ssyncset.done $0x0;
	(pc) =	sbr.rel @p0 .LBB2_2-.Ltmp0, $4  }
0x28: {  	s19 =	sadd.s32 $0x2800, s20;
	[sflag:s16] =	ssyncadd.s32 $0xFFFFC000  }
0x29: {  	[spmem:s2] =	stream.indirect.scatter.add.f32 [tilespmem:s15], [sflag:$0x2], $0x80, s19, s14, $0xb8;
	[tilespmem:$0x1CC00] =	vst v63  }
0x2a: {  	_ =	swait.ge [sflag:s10], $0x4000  }
0x2b: {  	s19 =	smov.u32 s21;
	[sflag:s10] =	ssyncset.done $0x0  }
0x2c: {  	s18 =	sshra.s32 s18, $0x2;
	[sflag:s10] =	ssyncadd.s32 $0xFFFFC000  }
0x2d: {  	[tilespmem:s15], [sflag:$0x1] =	stream.indirect.gather [hbm4b:s4+s14], $0x80, s18, s14, $0xb8;
	[tilespmem:$0x1CC00] =	vst v63  }
0x2e: {  	_ =	swait.ge [sflag:s16], $0x4000  }
0x2f: {  	[sflag:s16] =	ssyncset.done $0x0  }
0x30: {  	s18 =	sadd.s32 $0x2800, s18;
	[sflag:s16] =	ssyncadd.s32 $0xFFFFC000  }
0x31: {  	[spmem:s2] =	stream.indirect.scatter.add.f32 [tilespmem:s15], [sflag:$0x2], $0x80, s18, s14, $0xb8;
	[tilespmem:$0x1CC00] =	vst v63  }
0x32: {  	_ =	swait.ge [sflag:s10], $0x4000  }
0x33: {  	s17 =	sadd.s32 $0x1, s17;
	[sflag:s10] =	ssyncset.done $0x0  }
0x34: {  	p0 =	sne.s32 s17, s9;
	[sflag:s10] =	ssyncadd.s32 $0xFFFFC000  }
.Ltmp1:
0x35: {  	[bflag:$0x0] =	sbarrier.arrive $0xFFFF;
	(pc) =	sbr.rel @p0 .LBB2_1-.Ltmp1, $4  }
0x36: {  	[hbm:s8], [sflag:s12] =	dma.local [spmem:s13], $0x2780  }
0x37: {  	_ =	swait.ge [sflag:s10], $0x2780  }
0x38: {  	[sflag:s10] =	ssyncset.done $0x0  }
0x39: {  	[sflag:s10] =	ssyncadd.s32 $0xFFFFD880  }
0x3a: {  	_ =	sfence.sel $0x180000  }
0x3b: {  	[bflag:$0x0] =	sbarrier.arrive $0xFFFF  }
0x3c: {  	p0 =	sne.s32 s0, $0x0;
	_ =	strace $0x90000047  }
0x3d: {  	s0 =	sadd.s32 @!p0 $0x100000, s1;
	[bflag:$0x2] =	sbarrier.arrive $0xFFFF  }
0x3e: {  	[sflag:s0] =	ssyncadd.tile.s32 @!p0 $0x1;
	_ =	shalt  }
.Lfunc_end2:
_tile_overlayer_lowered:
.L_overlay_start_2:
0x3f: {  	(tag) =	ssettag $0x2  }
0x40: {  	s0 =	rddreg [dreg:$0x0];
	s2 =	stileid.u32  }
0x41: {  	s1 =	rddreg [dreg:$0x1];
	p0 =	sne.s32 s2, $0x0  }
0x42: {  	s3 =	rddreg [dreg:$0x2];
	[bflag:$0x3] =	sbarrier.arrive $0xFFFF;
	s2 =	simm.s32 @!p0 $0x1C02  }
0x43: {  	[timem:s3], [sflag:s2] =	dma.local @!p0 [hbm:s0], s1  }
0x44: {  	s0 =	simm.s32 @!p0 $0x2  }
0x45: {  	_ =	swait.ge @!p0 [sflag:s0], s1  }
0x46: {  	s1 =	ssub.s32 @!p0 $0x0, s1;
	[sflag:s0] =	ssyncset.done @!p0 $0x0  }
0x47: {  	[sflag:s0] =	ssyncadd.s32 @!p0 s1  }
0x48: {  	[bflag:$0x3] =	sbarrier.arrive $0xFFFF  }
0x49: {  	_ =	shalt  }

// kernel: kernel.16.cloned.1.call-start
scs
__scs_entry_jumppad:
0x0: {  	(pc) =	sbr.rel $0x88, $3  }
0x1: {  	(tag) =	ssettag $0x0;
	lr =	simm.s32 $0x1  }
0x2: {  	[smem:$0x3F91] =	sst lr;
	_ =	strace $0xD0000000  }
0x3: {  	_ = 	snop  }
0x4: {  	_ = 	snop  }
0x5: {  	_ = 	snop  }
0x6: {  	_ = 	snop  }
0x7: {  	_ = 	snop  }
__scs_overlays_trampoline_lowered:
0x8: {  	[smem:$0x3FA0] =	sst s0  }
0x9: {  	[smem:$0x3FA1] =	sst s1  }
0xa: {  	[smem:$0x3FA2] =	sst s2  }
0xb: {  	[smem:$0x3FA3] =	sst s3  }
0xc: {  	[smem:$0x3FA4] =	sst s4  }
0xd: {  	[smem:$0x3FA5] =	sst s5  }
0xe: {  	[smem:$0x3FA6] =	sst s6  }
0xf: {  	[smem:$0x3FA7] =	sst s7  }
0x10: {  	[smem:$0x3FA8] =	sst s8  }
0x11: {  	[smem:$0x3FA9] =	sst s9;
	s0 =	simm.s32 @!p0 $0x0  }
0x12: {  	s1 =	sld [smem:$0x3F8F];
	s0 =	simm.s32 @p0 $0x1  }
0x13: {  	[smem:$0x3FAA] =	sst s0;
	s0 =	simm.s32 @!p1 $0x0  }
0x14: {  	s2 =	sld [smem:$0x3F8E];
	s0 =	simm.s32 @p1 $0x1  }
0x15: {  	[smem:$0x3FAB] =	sst s0;
	s0 =	simm.s32 @!p2 $0x0  }
0x16: {  	s3 =	sld [smem:$0x3FDB];
	s0 =	simm.s32 @p2 $0x1  }
0x17: {  	s4 =	simm.s32 $0x1BF5;
	[smem:$0x3FAD] =	sst s0  }
0x18: {  	s0 =	sld [smem:$0x3F90];
	_ =	swait.ge [sflag:s4], $0x0  }
0x19: {  	s7 =	sld [smem:$0x3F91]  }
0x1a: {  	s8 =	sadd.s32 $0xFFFFE003, lr  }
0x1b: {  	s9 =	sadd.s32 $0xFFFFFEF7, lr;
	s5 =	simm.s32 $0xFFFFFFFF;
	p2 =	slt.u32 s8, $0xFFFFF086  }
0x1c: {  	p1 =	slt.u32 s9, $0xF7A;
	s5 =	simm.s32 @!p2 $0x0  }
0x1d: {  	s5 =	simm.s32 @p1 $0x1;
	p0 =	seq.s32 s7, s2  }
0x1e: {  	s7 =	smul.u32 @!p0 $0xF7A, s2;
	p2 =	seq.s32 @!p0 s5, $0x0  }
0x1f: {  	s9 =	smul.u32 $0xF7A, s1;
	s8 =	simm.s32 @!p0 $0x1BF5;
	p2 =	por !p2, p0  }
0x20: {  	[sflag:s8] =	ssyncset.s32 @!p0 $0xFFFFF086;
	s6 =	sadd.s32 @!p0 s3, s7;
	s7 =	simm.s32 @!p0 $0x108  }
0x21: {  	s3 =	sadd.s32 s3, s9;
	s6 =	sadd.s32 @!p0 $0x88, s6;
	s7 =	simm.s32 @p2 $0x1082  }
0x22: {  	[simem:s7], [sflag:s8] =	dma.local @!p0 [hbm:s6], $0xF7A  }
0x23: {  	s9 =	sor.u32 $0xD0000000, s2;
	s6 =	simm.s32 $0x108;
	_ =	swait.ge @!p0 [sflag:s8], $0x0  }
0x24: {  	s3 =	sadd.s32 $0x88, s3;
	s6 =	simm.s32 @!p1 $0x1082;
	[sflag:s4] =	ssyncset.s32 $0xFFFFF086  }
0x25: {  	[simem:s6], [sflag:s4] =	dma.local [hbm:s3], $0xF7A  }
0x26: {  	[smem:$0x3F91] =	sst s1;
	(tag) =	ssettag s2;
	_ =	strace s9  }
0x27: {  	s1 =	sld [smem:$0x3FA1]  }
0x28: {  	s2 =	sld [smem:$0x3FA2]  }
0x29: {  	s4 =	sld [smem:$0x3FA4]  }
0x2a: {  	p0 =	seq.s32 s5, $0x0;
	s5 =	sld [smem:$0x3FA5]  }
0x2b: {  	s6 =	sld [smem:$0x3FA6]  }
0x2c: {  	s7 =	sld [smem:$0x3FA7]  }
0x2d: {  	s3 =	simm.s32 $0x108;
	s8 =	sld [smem:$0x3FA8]  }
0x2e: {  	s3 =	simm.s32 @!p0 $0x1082;
	s9 =	sld [smem:$0x3FA9]  }
0x2f: {  	lr =	sadd.s32 s0, s3;
	s0 =	sld [smem:$0x3FA0]  }
0x30: {  	s3 =	sld [smem:$0x3FA3]  }
0x31: {  	[smem:$0x3FAC] =	sst s10  }
0x32: {  	s10 =	sld [smem:$0x3FAA];
	_ =	sdelay $0x3  }
0x33: {  	p0 =	seq.s32 s10, $0x1;
	s10 =	sld [smem:$0x3FAC];
	_ =	sdelay $0x3  }
0x34: {  	[smem:$0x3FAC] =	sst s10  }
0x35: {  	s10 =	sld [smem:$0x3FAB];
	_ =	sdelay $0x3  }
0x36: {  	p1 =	seq.s32 s10, $0x1;
	s10 =	sld [smem:$0x3FAC];
	_ =	sdelay $0x3  }
0x37: {  	[smem:$0x3FAC] =	sst s10  }
0x38: {  	s10 =	sld [smem:$0x3FAD]  }
0x39: {  	_ = 	snop;
	(pc) =	sbr.ind lr, $3  }
0x3a: {  	_ = 	snop  }
0x3b: {  	_ = 	snop  }
0x3c: {  	p2 =	seq.s32 s10, $0x1;
	s10 =	sld [smem:$0x3FAC]  }
0x3d: {  	_ =	shalt  }
0x3e: {  	_ =	shalt  }
0x3f: {  	_ =	shalt  }
0x40: {  	_ =	shalt  }
0x41: {  	_ =	shalt  }
0x42: {  	_ =	shalt  }
0x43: {  	_ =	shalt  }
0x44: {  	_ =	shalt  }
0x45: {  	_ =	shalt  }
0x46: {  	_ =	shalt  }
0x47: {  	_ =	shalt  }
0x48: {  	_ =	shalt  }
0x49: {  	_ =	shalt  }
0x4a: {  	_ =	shalt  }
0x4b: {  	_ =	shalt  }
0x4c: {  	_ =	shalt  }
0x4d: {  	_ =	shalt  }
0x4e: {  	_ =	shalt  }
0x4f: {  	_ =	shalt  }
0x50: {  	_ =	shalt  }
0x51: {  	_ =	shalt  }
0x52: {  	_ =	shalt  }
0x53: {  	_ =	shalt  }
0x54: {  	_ =	shalt  }
0x55: {  	_ =	shalt  }
0x56: {  	_ =	shalt  }
0x57: {  	_ =	shalt  }
0x58: {  	_ =	shalt  }
0x59: {  	_ =	shalt  }
0x5a: {  	_ =	shalt  }
0x5b: {  	_ =	shalt  }
0x5c: {  	_ =	shalt  }
0x5d: {  	_ =	shalt  }
0x5e: {  	_ =	shalt  }
0x5f: {  	_ =	shalt  }
0x60: {  	_ =	shalt  }
0x61: {  	_ =	shalt  }
0x62: {  	_ =	shalt  }
0x63: {  	_ =	shalt  }
0x64: {  	_ =	shalt  }
0x65: {  	_ =	shalt  }
0x66: {  	_ =	shalt  }
0x67: {  	_ =	shalt  }
0x68: {  	_ =	shalt  }
0x69: {  	_ =	shalt  }
0x6a: {  	_ =	shalt  }
0x6b: {  	_ =	shalt  }
0x6c: {  	_ =	shalt  }
0x6d: {  	_ =	shalt  }
0x6e: {  	_ =	shalt  }
0x6f: {  	_ =	shalt  }
0x70: {  	_ =	shalt  }
0x71: {  	_ =	shalt  }
0x72: {  	_ =	shalt  }
0x73: {  	_ =	shalt  }
0x74: {  	_ =	shalt  }
0x75: {  	_ =	shalt  }
0x76: {  	_ =	shalt  }
0x77: {  	_ =	shalt  }
0x78: {  	_ =	shalt  }
0x79: {  	_ =	shalt  }
0x7a: {  	_ =	shalt  }
0x7b: {  	_ =	shalt  }
0x7c: {  	_ =	shalt  }
0x7d: {  	_ =	shalt  }
0x7e: {  	_ =	shalt  }
0x7f: {  	_ =	shalt  }
0x80: {  	_ =	shalt  }
0x81: {  	_ =	shalt  }
0x82: {  	_ =	shalt  }
0x83: {  	_ =	shalt  }
0x84: {  	_ =	shalt  }
0x85: {  	_ =	shalt  }
0x86: {  	_ =	shalt  }
0x87: {  	_ =	shalt  }
.Lfunc_end0:
.L_simem_size_0:
called_computation.1_lowered:
.L_overlay_start_0:
0x88: {  	s2 =	sld [smem:$0x3FD9]  }
0x89: {  	s3 =	sld [smem:$0x3FFE];
	_ =	sdelay $0x1  }
0x8a: {  	s1 =	srdreg.scid  }
0x8b: {  	s0 =	sand.u32 $0x1, s1  }
0x8c: {  	s16 =	sshll.u32 s0, $0xA;
	s2 =	sadd.s32 s3, s2  }
0x8d: {  	s2 =	sadd.s32 s2, s16  }
0x8e: {  	[smem:$0x3FB8] =	sst s2  }
0x8f: {  	_ = 	snop  }
0x90: {  	(tm) =	ssettm $0x1  }
0x91: {  	s17 =	sld [smem:$0x3FFB];
	_ =	sdelay $0x3  }
0x92: {  	_ =	strace s17  }
0x93: {  	s2 =	sld [smem:$0x3FFC];
	_ =	sdelay $0x3  }
0x94: {  	_ =	strace s2  }
0x95: {  	s2 =	sld [smem:$0x3FFD];
	_ =	sdelay $0x3  }
0x96: {  	_ =	strace s2  }
0x97: {  	_ =	strace $0x8FFFFFFF  }
0x98: {  	s18 =	sld [smem:$0x3FDB];
	_ =	sdelay $0x1  }
0x99: {  	s19 =	simm.s32 $_scs_section_size  }
0x9a: {  	s4 =	simm.s32 $_size__tile_overlayer_lowered;
	s5 =	simm.s32 $_tile_overlayer_lowered  }
0x9b: {  	s22 =	simm.s32 $0x1BFF;
	s21 =	sshll.u32 s5, $0x1;
	s2 =	sadd.s32 s19, s18  }
0x9c: {  	s6 =	simm.s32 $0x0;
	s20 =	sshll.u32 s4, $0x1;
	s4 =	sadd.s32 s21, s2  }
0x9d: {  	[timem:s6], [sflag:s22] =	dma.local [hbm:s4], s20  }
0x9e: {  	_ =	swait.ge [sflag:s22], s20  }
0x9f: {  	s3 =	ssub.s32 $0x0, s20;
	[sflag:s22] =	ssyncset.done $0x0  }
0xa0: {  	[sflag:s22] =	ssyncadd.s32 s3;
	_ =	sdelay $0x1  }
0xa1: {  	s23 =	simm.s32 $0x1B8B  }
0xa2: {  	_ =	swait.ge [sflag:s23], $0x1  }
0xa3: {  	[sflag:s23] =	ssyncset.done $0x0  }
0xa4: {  	s25 =	simm.s32 $0x1B8E;
	s24 =	sld [smem:$0x3FFE];
	[sflag:s23] =	ssyncadd.s32 $0xFFFFFFFF  }
0xa5: {  	s26 =	simm.s32 $execute0_lowered;
	[smem:$0x3FD2] =	sst s25  }
0xa6: {  	s4 =	sshll.u32 s26, $0x1;
	_ =	strace $0x80000049;
	[dreg:$0x1] =	wrdreg $0xFFFFFFFF  }
0xa7: {  	s28 =	simm.s32 $_size_execute0_lowered;
	s2 =	sadd.s32 s2, s4;
	[dreg:$0x0] =	wrdreg $0x0  }
0xa8: {  	s4 =	sshll.u32 s28, $0x1;
	[dreg:$0x2] =	wrdreg s2  }
0xa9: {  	[dreg:$0x3] =	wrdreg s4  }
0xaa: {  	[dreg:$0x4] =	wrdreg $0xC0  }
0xab: {  	_ =	task [dreg:s6], $0x5FFFF  }
0xac: {  	[dreg:$0x1] =	wrdreg $0xFFFFFFFF  }
0xad: {  	[dreg:$0x0] =	wrdreg $0x60  }
0xae: {  	[dreg:$0x2] =	wrdreg s24  }
0xaf: {  	[dreg:$0x3] =	wrdreg $0x90000  }
0xb0: {  	[dreg:$0x4] =	wrdreg $0x9  }
0xb1: {  	_ =	task.clear_ibuf [dreg:s6], $0x5FFFF;
	_ =	strace $0x90000049  }
0xb2: {  	s29 =	simm.s32 $0x9;
	_ =	strace $0x8000004B  }
0xb3: {  	_ =	swait.ge [sflag:s29], $0x1  }
0xb4: {  	[sflag:s29] =	ssyncadd.s32 $0xFFFFFFFF  }
0xb5: {  	_ =	strace $0x9000004B  }
0xb6: {  	_ =	sfence  }
0xb7: {  	s30 =	sld [smem:$0x0];
	_ =	sdelay $0x2  }
0xb8: {  	s31 =	sshll.u32 s1, $0xD;
	s1 =	sshrl.u32 s1, $0x2  }
0xb9: {  	s3 =	sand.u32 $0x4000, s31;
	s1 =	sadd.s32 s1, s30  }
0xba: {  	s0 =	sor.u32 s3, s0;
	s1 =	sshll.u32 s1, $0x11  }
0xbb: {  	s0 =	sor.u32 s1, s0  }
0xbc: {  	s0 =	sadd.s32 $0x8F2B, s0  }
0xbd: {  	[sflag:s0] =	ssyncadd.remote.s32 $0x1  }
0xbe: {  	_ =	sfence.sel $0xFFFF  }
0xbf: {  	[dreg:$0x0] =	wrdreg $0xFFFFFFFF;
	(pc) =	sbr.abs _section_cstart, $3  }
0xc0: {  	[dreg:$0x1] =	wrdreg $0xFFFFFFFF  }
0xc1: {  	_ =	task.clear_ibuf [dreg:s6], $0x2FFFF;
	_ =	strace $0x9FFFFFFF  }
0xc2: {  	(tm) =	ssettm $0x7FFFFFFF  }
0xc3: {  	_ =	shalt  }
tec
execute0_lowered:
.L_overlay_start_1:
0x0: {  	(tag) =	ssettag $0x1  }
0x1: {  	s0 =	srdreg.scid;
	s6 =	rddreg [dreg:$0x0]  }
0x2: {  	s2 =	rddreg [dreg:$0x1];
	s3 =	simm.s32 $0x0;
	s14 =	simm.s32 $0x80  }
0x3: {  	s15 =	simm.s32 $0x5000;
	s5 =	sand.u32 $0x1, s0;
	s0 =	stileid.u32  }
0x4: {  	s16 =	simm.s32 $0x1;
	s17 =	simm.s32 $0x0;
	s8 =	smul.u32 $0x13C00, s0  }
0x5: {  	[smem:$0x7FF] =	sst s3;
	s1 =	sshll.u32 s5, $0x4;
	s9 =	smul.u32 $0x13C000, s5  }
0x6: {  	s5 =	ssub.s32 $0x2, s5;
	s31 =	smul.u32 $0x4F000, s0;
	s12 =	sshll.u32 s0, $0x6  }
0x7: {  	s4 =	sor.u32 s0, s1;
	s1 =	rddreg [dreg:$0x2];
	_ =	strace $0x8000004A  }
0x8: {  	s11 =	sshrl.u32 s5, $0x1;
	s12 =	sor.u32 $0x1C02, s12;
	s7 =	smul.u32 $0x500, s4  }
0x9: {  	s4 =	sadd.s32 $0x5200, s6;
	s10 =	sshrl.u32 s8, $0x3;
	s8 =	sadd.s32 s8, s9  }
0xa: {  	s11 =	ssub.s32 s5, s11;
	s9 =	sshrl.u32 s31, $0x2;
	s10 =	sadd.s32 s10, s6  }
0xb: {  	s8 =	sshrl.u32 s8, $0x3;
	s13 =	sadd.s32 s9, s2;
	s9 =	smax.u32 s11, $0x1  }
0xc: {  	s11 =	simm.s32 $0x2800;
	s7 =	sadd.s32 s7, s6;
	s8 =	sadd.s32 s8, s6  }
0xd: {  	s13 =	sshrl.u32 s13, $0x3;
	s5 =	sadd.s32 $0xA1600, s7;
	s6 =	sadd.s32 $0xAB600, s7  }
0xe: {  	s7 =	sadd.s32 $0xB5600, s10;
	s8 =	sadd.s32 $0xDCE00, s8;
	s10 =	simm.s32 $0x2  }
.LBB2_1:
0xf: {  	[tilespmem:s3], [sflag:$0x2] =	stream.linear.gather [hbm4b:s5+s3], $0x2780, $0x38;
	[tilespmem:$0x1CC00] =	vst v63  }
0x10: {  	_ =	swait.ge [sflag:s10], $0x2780  }
0x11: {  	[sflag:s10] =	ssyncset.done $0x0  }
0x12: {  	[sflag:s10] =	ssyncadd.s32 $0xFFFFD880  }
0x13: {  	[tilespmem:s11], [sflag:$0x2] =	stream.linear.gather [hbm4b:s6+s3], $0x2780, $0x38;
	[tilespmem:$0x1CC00] =	vst v63  }
0x14: {  	_ =	swait.ge [sflag:s10], $0x2780  }
0x15: {  	[sflag:s10] =	ssyncset.done $0x0  }
0x16: {  	[sflag:s10] =	ssyncadd.s32 $0xFFFFD880  }
0x17: {  	[spmem:s13], [sflag:s12] =	dma.local [hbm:s7], $0x2780  }
0x18: {  	_ =	swait.ge [sflag:s10], $0x2780  }
0x19: {  	[sflag:s10] =	ssyncset.done $0x0  }
0x1a: {  	[sflag:s10] =	ssyncadd.s32 $0xFFFFD880  }
0x1b: {  	s18 =	simm.s32 $0x0;
	[bflag:$0x0] =	sbarrier.arrive $0xFFFF  }
0x1c: {  	[tilespmem:s15], [sflag:$0x1] =	stream.indirect.gather [hbm4b:s4+s14], $0x80, s18, s14, $0xb8;
	[tilespmem:$0x1CC00] =	vst v63  }
0x1d: {  	_ =	swait.ge [sflag:s16], $0x4000  }
0x1e: {  	[sflag:s16] =	ssyncset.done $0x0  }
0x1f: {  	s31 =	simm.s32 $0x2800;
	[sflag:s16] =	ssyncadd.s32 $0xFFFFC000  }
0x20: {  	[spmem:s2] =	stream.indirect.scatter.add.f32 [tilespmem:s15], [sflag:$0x2], $0x80, s31, s14, $0xb8;
	[tilespmem:$0x1CC00] =	vst v63  }
0x21: {  	_ =	swait.ge [sflag:s10], $0x4000  }
0x22: {  	s19 =	simm.s32 $0x400;
	s18 =	simm.s32 $0x200;
	[sflag:s10] =	ssyncset.done $0x0  }
.LBB2_2:
0x23: {  	s20 =	sshra.s32 s18, $0x2  }
0x24: {  	[sflag:s10] =	ssyncadd.s32 $0xFFFFC000;
	s18 =	smov.u32 s19;
	s21 =	sadd.s32 $0x200, s19  }
0x25: {  	[tilespmem:s15], [sflag:$0x1] =	stream.indirect.gather [hbm4b:s4+s14], $0x80, s20, s14, $0xb8;
	[tilespmem:$0x1CC00] =	vst v63  }
0x26: {  	p0 =	sne.s32 s19, $0x9C00;
	_ =	swait.ge [sflag:s16], $0x4000  }
.Ltmp0:
0x27: {  	[sflag:s16] =	ssyncset.done $0x0;
	(pc) =	sbr.rel @p0 .LBB2_2-.Ltmp0, $4  }
0x28: {  	s19 =	sadd.s32 $0x2800, s20;
	[sflag:s16] =	ssyncadd.s32 $0xFFFFC000  }
0x29: {  	[spmem:s2] =	stream.indirect.scatter.add.f32 [tilespmem:s15], [sflag:$0x2], $0x80, s19, s14, $0xb8;
	[tilespmem:$0x1CC00] =	vst v63  }
0x2a: {  	_ =	swait.ge [sflag:s10], $0x4000  }
0x2b: {  	s19 =	smov.u32 s21;
	[sflag:s10] =	ssyncset.done $0x0  }
0x2c: {  	s18 =	sshra.s32 s18, $0x2;
	[sflag:s10] =	ssyncadd.s32 $0xFFFFC000  }
0x2d: {  	[tilespmem:s15], [sflag:$0x1] =	stream.indirect.gather [hbm4b:s4+s14], $0x80, s18, s14, $0xb8;
	[tilespmem:$0x1CC00] =	vst v63  }
0x2e: {  	_ =	swait.ge [sflag:s16], $0x4000  }
0x2f: {  	[sflag:s16] =	ssyncset.done $0x0  }
0x30: {  	s18 =	sadd.s32 $0x2800, s18;
	[sflag:s16] =	ssyncadd.s32 $0xFFFFC000  }
0x31: {  	[spmem:s2] =	stream.indirect.scatter.add.f32 [tilespmem:s15], [sflag:$0x2], $0x80, s18, s14, $0xb8;
	[tilespmem:$0x1CC00] =	vst v63  }
0x32: {  	_ =	swait.ge [sflag:s10], $0x4000  }
0x33: {  	s17 =	sadd.s32 $0x1, s17;
	[sflag:s10] =	ssyncset.done $0x0  }
0x34: {  	p0 =	sne.s32 s17, s9;
	[sflag:s10] =	ssyncadd.s32 $0xFFFFC000  }
.Ltmp1:
0x35: {  	[bflag:$0x0] =	sbarrier.arrive $0xFFFF;
	(pc) =	sbr.rel @p0 .LBB2_1-.Ltmp1, $4  }
0x36: {  	[hbm:s8], [sflag:s12] =	dma.local [spmem:s13], $0x2780  }
0x37: {  	_ =	swait.ge [sflag:s10], $0x2780  }
0x38: {  	[sflag:s10] =	ssyncset.done $0x0  }
0x39: {  	[sflag:s10] =	ssyncadd.s32 $0xFFFFD880  }
0x3a: {  	_ =	sfence.sel $0x180000  }
0x3b: {  	[bflag:$0x0] =	sbarrier.arrive $0xFFFF  }
0x3c: {  	p0 =	sne.s32 s0, $0x0;
	_ =	strace $0x9000004A  }
0x3d: {  	s0 =	sadd.s32 @!p0 $0x100000, s1;
	[bflag:$0x2] =	sbarrier.arrive $0xFFFF  }
0x3e: {  	[sflag:s0] =	ssyncadd.tile.s32 @!p0 $0x1;
	_ =	shalt  }
.Lfunc_end2:
_tile_overlayer_lowered:
.L_overlay_start_2:
0x3f: {  	(tag) =	ssettag $0x2  }
0x40: {  	s0 =	rddreg [dreg:$0x0];
	s2 =	stileid.u32  }
0x41: {  	s1 =	rddreg [dreg:$0x1];
	p0 =	sne.s32 s2, $0x0  }
0x42: {  	s3 =	rddreg [dreg:$0x2];
	[bflag:$0x3] =	sbarrier.arrive $0xFFFF;
	s2 =	simm.s32 @!p0 $0x1C02  }
0x43: {  	[timem:s3], [sflag:s2] =	dma.local @!p0 [hbm:s0], s1  }
0x44: {  	s0 =	simm.s32 @!p0 $0x2  }
0x45: {  	_ =	swait.ge @!p0 [sflag:s0], s1  }
0x46: {  	s1 =	ssub.s32 @!p0 $0x0, s1;
	[sflag:s0] =	ssyncset.done @!p0 $0x0  }
0x47: {  	[sflag:s0] =	ssyncadd.s32 @!p0 s1  }
0x48: {  	[bflag:$0x3] =	sbarrier.arrive $0xFFFF  }
0x49: {  	_ =	shalt  }

// kernel: kernel.19.cloned.1.call-start
scs
__scs_entry_jumppad:
0x0: {  	(pc) =	sbr.rel $0x88, $3  }
0x1: {  	(tag) =	ssettag $0x0;
	lr =	simm.s32 $0x1  }
0x2: {  	[smem:$0x3F91] =	sst lr;
	_ =	strace $0xD0000000  }
0x3: {  	_ = 	snop  }
0x4: {  	_ = 	snop  }
0x5: {  	_ = 	snop  }
0x6: {  	_ = 	snop  }
0x7: {  	_ = 	snop  }
__scs_overlays_trampoline_lowered:
0x8: {  	[smem:$0x3FA0] =	sst s0  }
0x9: {  	[smem:$0x3FA1] =	sst s1  }
0xa: {  	[smem:$0x3FA2] =	sst s2  }
0xb: {  	[smem:$0x3FA3] =	sst s3  }
0xc: {  	[smem:$0x3FA4] =	sst s4  }
0xd: {  	[smem:$0x3FA5] =	sst s5  }
0xe: {  	[smem:$0x3FA6] =	sst s6  }
0xf: {  	[smem:$0x3FA7] =	sst s7  }
0x10: {  	[smem:$0x3FA8] =	sst s8  }
0x11: {  	[smem:$0x3FA9] =	sst s9;
	s0 =	simm.s32 @!p0 $0x0  }
0x12: {  	s1 =	sld [smem:$0x3F8F];
	s0 =	simm.s32 @p0 $0x1  }
0x13: {  	[smem:$0x3FAA] =	sst s0;
	s0 =	simm.s32 @!p1 $0x0  }
0x14: {  	s2 =	sld [smem:$0x3F8E];
	s0 =	simm.s32 @p1 $0x1  }
0x15: {  	[smem:$0x3FAB] =	sst s0;
	s0 =	simm.s32 @!p2 $0x0  }
0x16: {  	s3 =	sld [smem:$0x3FDB];
	s0 =	simm.s32 @p2 $0x1  }
0x17: {  	s4 =	simm.s32 $0x1BF5;
	[smem:$0x3FAD] =	sst s0  }
0x18: {  	s0 =	sld [smem:$0x3F90];
	_ =	swait.ge [sflag:s4], $0x0  }
0x19: {  	s7 =	sld [smem:$0x3F91]  }
0x1a: {  	s8 =	sadd.s32 $0xFFFFE003, lr  }
0x1b: {  	s9 =	sadd.s32 $0xFFFFFEF7, lr;
	s5 =	simm.s32 $0xFFFFFFFF;
	p2 =	slt.u32 s8, $0xFFFFF086  }
0x1c: {  	p1 =	slt.u32 s9, $0xF7A;
	s5 =	simm.s32 @!p2 $0x0  }
0x1d: {  	s5 =	simm.s32 @p1 $0x1;
	p0 =	seq.s32 s7, s2  }
0x1e: {  	s7 =	smul.u32 @!p0 $0xF7A, s2;
	p2 =	seq.s32 @!p0 s5, $0x0  }
0x1f: {  	s9 =	smul.u32 $0xF7A, s1;
	s8 =	simm.s32 @!p0 $0x1BF5;
	p2 =	por !p2, p0  }
0x20: {  	[sflag:s8] =	ssyncset.s32 @!p0 $0xFFFFF086;
	s6 =	sadd.s32 @!p0 s3, s7;
	s7 =	simm.s32 @!p0 $0x108  }
0x21: {  	s3 =	sadd.s32 s3, s9;
	s6 =	sadd.s32 @!p0 $0x88, s6;
	s7 =	simm.s32 @p2 $0x1082  }
0x22: {  	[simem:s7], [sflag:s8] =	dma.local @!p0 [hbm:s6], $0xF7A  }
0x23: {  	s9 =	sor.u32 $0xD0000000, s2;
	s6 =	simm.s32 $0x108;
	_ =	swait.ge @!p0 [sflag:s8], $0x0  }
0x24: {  	s3 =	sadd.s32 $0x88, s3;
	s6 =	simm.s32 @!p1 $0x1082;
	[sflag:s4] =	ssyncset.s32 $0xFFFFF086  }
0x25: {  	[simem:s6], [sflag:s4] =	dma.local [hbm:s3], $0xF7A  }
0x26: {  	[smem:$0x3F91] =	sst s1;
	(tag) =	ssettag s2;
	_ =	strace s9  }
0x27: {  	s1 =	sld [smem:$0x3FA1]  }
0x28: {  	s2 =	sld [smem:$0x3FA2]  }
0x29: {  	s4 =	sld [smem:$0x3FA4]  }
0x2a: {  	p0 =	seq.s32 s5, $0x0;
	s5 =	sld [smem:$0x3FA5]  }
0x2b: {  	s6 =	sld [smem:$0x3FA6]  }
0x2c: {  	s7 =	sld [smem:$0x3FA7]  }
0x2d: {  	s3 =	simm.s32 $0x108;
	s8 =	sld [smem:$0x3FA8]  }
0x2e: {  	s3 =	simm.s32 @!p0 $0x1082;
	s9 =	sld [smem:$0x3FA9]  }
0x2f: {  	lr =	sadd.s32 s0, s3;
	s0 =	sld [smem:$0x3FA0]  }
0x30: {  	s3 =	sld [smem:$0x3FA3]  }
0x31: {  	[smem:$0x3FAC] =	sst s10  }
0x32: {  	s10 =	sld [smem:$0x3FAA];
	_ =	sdelay $0x3  }
0x33: {  	p0 =	seq.s32 s10, $0x1;
	s10 =	sld [smem:$0x3FAC];
	_ =	sdelay $0x3  }
0x34: {  	[smem:$0x3FAC] =	sst s10  }
0x35: {  	s10 =	sld [smem:$0x3FAB];
	_ =	sdelay $0x3  }
0x36: {  	p1 =	seq.s32 s10, $0x1;
	s10 =	sld [smem:$0x3FAC];
	_ =	sdelay $0x3  }
0x37: {  	[smem:$0x3FAC] =	sst s10  }
0x38: {  	s10 =	sld [smem:$0x3FAD]  }
0x39: {  	_ = 	snop;
	(pc) =	sbr.ind lr, $3  }
0x3a: {  	_ = 	snop  }
0x3b: {  	_ = 	snop  }
0x3c: {  	p2 =	seq.s32 s10, $0x1;
	s10 =	sld [smem:$0x3FAC]  }
0x3d: {  	_ =	shalt  }
0x3e: {  	_ =	shalt  }
0x3f: {  	_ =	shalt  }
0x40: {  	_ =	shalt  }
0x41: {  	_ =	shalt  }
0x42: {  	_ =	shalt  }
0x43: {  	_ =	shalt  }
0x44: {  	_ =	shalt  }
0x45: {  	_ =	shalt  }
0x46: {  	_ =	shalt  }
0x47: {  	_ =	shalt  }
0x48: {  	_ =	shalt  }
0x49: {  	_ =	shalt  }
0x4a: {  	_ =	shalt  }
0x4b: {  	_ =	shalt  }
0x4c: {  	_ =	shalt  }
0x4d: {  	_ =	shalt  }
0x4e: {  	_ =	shalt  }
0x4f: {  	_ =	shalt  }
0x50: {  	_ =	shalt  }
0x51: {  	_ =	shalt  }
0x52: {  	_ =	shalt  }
0x53: {  	_ =	shalt  }
0x54: {  	_ =	shalt  }
0x55: {  	_ =	shalt  }
0x56: {  	_ =	shalt  }
0x57: {  	_ =	shalt  }
0x58: {  	_ =	shalt  }
0x59: {  	_ =	shalt  }
0x5a: {  	_ =	shalt  }
0x5b: {  	_ =	shalt  }
0x5c: {  	_ =	shalt  }
0x5d: {  	_ =	shalt  }
0x5e: {  	_ =	shalt  }
0x5f: {  	_ =	shalt  }
0x60: {  	_ =	shalt  }
0x61: {  	_ =	shalt  }
0x62: {  	_ =	shalt  }
0x63: {  	_ =	shalt  }
0x64: {  	_ =	shalt  }
0x65: {  	_ =	shalt  }
0x66: {  	_ =	shalt  }
0x67: {  	_ =	shalt  }
0x68: {  	_ =	shalt  }
0x69: {  	_ =	shalt  }
0x6a: {  	_ =	shalt  }
0x6b: {  	_ =	shalt  }
0x6c: {  	_ =	shalt  }
0x6d: {  	_ =	shalt  }
0x6e: {  	_ =	shalt  }
0x6f: {  	_ =	shalt  }
0x70: {  	_ =	shalt  }
0x71: {  	_ =	shalt  }
0x72: {  	_ =	shalt  }
0x73: {  	_ =	shalt  }
0x74: {  	_ =	shalt  }
0x75: {  	_ =	shalt  }
0x76: {  	_ =	shalt  }
0x77: {  	_ =	shalt  }
0x78: {  	_ =	shalt  }
0x79: {  	_ =	shalt  }
0x7a: {  	_ =	shalt  }
0x7b: {  	_ =	shalt  }
0x7c: {  	_ =	shalt  }
0x7d: {  	_ =	shalt  }
0x7e: {  	_ =	shalt  }
0x7f: {  	_ =	shalt  }
0x80: {  	_ =	shalt  }
0x81: {  	_ =	shalt  }
0x82: {  	_ =	shalt  }
0x83: {  	_ =	shalt  }
0x84: {  	_ =	shalt  }
0x85: {  	_ =	shalt  }
0x86: {  	_ =	shalt  }
0x87: {  	_ =	shalt  }
.Lfunc_end0:
.L_simem_size_0:
called_computation.2_lowered:
.L_overlay_start_0:
0x88: {  	s2 =	sld [smem:$0x3FD9]  }
0x89: {  	s3 =	sld [smem:$0x3FFE];
	_ =	sdelay $0x1  }
0x8a: {  	s1 =	srdreg.scid  }
0x8b: {  	s0 =	sand.u32 $0x1, s1  }
0x8c: {  	s16 =	sshll.u32 s0, $0xA;
	s2 =	sadd.s32 s3, s2  }
0x8d: {  	s2 =	sadd.s32 s2, s16  }
0x8e: {  	[smem:$0x3FB8] =	sst s2  }
0x8f: {  	_ = 	snop  }
0x90: {  	(tm) =	ssettm $0x1  }
0x91: {  	s17 =	sld [smem:$0x3FFB];
	_ =	sdelay $0x3  }
0x92: {  	_ =	strace s17  }
0x93: {  	s2 =	sld [smem:$0x3FFC];
	_ =	sdelay $0x3  }
0x94: {  	_ =	strace s2  }
0x95: {  	s2 =	sld [smem:$0x3FFD];
	_ =	sdelay $0x3  }
0x96: {  	_ =	strace s2  }
0x97: {  	_ =	strace $0x8FFFFFFF  }
0x98: {  	s18 =	sld [smem:$0x3FDB];
	_ =	sdelay $0x1  }
0x99: {  	s19 =	simm.s32 $_scs_section_size  }
0x9a: {  	s4 =	simm.s32 $_size__tile_overlayer_lowered;
	s5 =	simm.s32 $_tile_overlayer_lowered  }
0x9b: {  	s22 =	simm.s32 $0x1BFF;
	s21 =	sshll.u32 s5, $0x1;
	s2 =	sadd.s32 s19, s18  }
0x9c: {  	s6 =	simm.s32 $0x0;
	s20 =	sshll.u32 s4, $0x1;
	s4 =	sadd.s32 s21, s2  }
0x9d: {  	[timem:s6], [sflag:s22] =	dma.local [hbm:s4], s20  }
0x9e: {  	_ =	swait.ge [sflag:s22], s20  }
0x9f: {  	s3 =	ssub.s32 $0x0, s20;
	[sflag:s22] =	ssyncset.done $0x0  }
0xa0: {  	[sflag:s22] =	ssyncadd.s32 s3;
	_ =	sdelay $0x1  }
0xa1: {  	s23 =	simm.s32 $0x1B8B  }
0xa2: {  	_ =	swait.ge [sflag:s23], $0x1  }
0xa3: {  	[sflag:s23] =	ssyncset.done $0x0  }
0xa4: {  	s25 =	simm.s32 $0x1B8E;
	s24 =	sld [smem:$0x3FFE];
	[sflag:s23] =	ssyncadd.s32 $0xFFFFFFFF  }
0xa5: {  	s26 =	simm.s32 $execute0_lowered;
	[smem:$0x3FD2] =	sst s25  }
0xa6: {  	s4 =	sshll.u32 s26, $0x1;
	_ =	strace $0x8000004C;
	[dreg:$0x1] =	wrdreg $0xFFFFFFFF  }
0xa7: {  	s28 =	simm.s32 $_size_execute0_lowered;
	s2 =	sadd.s32 s2, s4;
	[dreg:$0x0] =	wrdreg $0x0  }
0xa8: {  	s4 =	sshll.u32 s28, $0x1;
	[dreg:$0x2] =	wrdreg s2  }
0xa9: {  	[dreg:$0x3] =	wrdreg s4  }
0xaa: {  	[dreg:$0x4] =	wrdreg $0xC0  }
0xab: {  	_ =	task [dreg:s6], $0x5FFFF  }
0xac: {  	[dreg:$0x1] =	wrdreg $0xFFFFFFFF  }
0xad: {  	[dreg:$0x0] =	wrdreg $0x60  }
0xae: {  	[dreg:$0x2] =	wrdreg s24  }
0xaf: {  	[dreg:$0x3] =	wrdreg $0x90000  }
0xb0: {  	[dreg:$0x4] =	wrdreg $0x9  }
0xb1: {  	_ =	task.clear_ibuf [dreg:s6], $0x5FFFF;
	_ =	strace $0x9000004C  }
0xb2: {  	s29 =	simm.s32 $0x9;
	_ =	strace $0x8000004E  }
0xb3: {  	_ =	swait.ge [sflag:s29], $0x1  }
0xb4: {  	[sflag:s29] =	ssyncadd.s32 $0xFFFFFFFF  }
0xb5: {  	_ =	strace $0x9000004E  }
0xb6: {  	_ =	sfence  }
0xb7: {  	s30 =	sld [smem:$0x0];
	_ =	sdelay $0x2  }
0xb8: {  	s31 =	sshll.u32 s1, $0xD;
	s1 =	sshrl.u32 s1, $0x2  }
0xb9: {  	s3 =	sand.u32 $0x4000, s31;
	s1 =	sadd.s32 s1, s30  }
0xba: {  	s0 =	sor.u32 s3, s0;
	s1 =	sshll.u32 s1, $0x11  }
0xbb: {  	s0 =	sor.u32 s1, s0  }
0xbc: {  	s0 =	sadd.s32 $0x8F2B, s0  }
0xbd: {  	[sflag:s0] =	ssyncadd.remote.s32 $0x1  }
0xbe: {  	_ =	sfence.sel $0xFFFF  }
0xbf: {  	[dreg:$0x0] =	wrdreg $0xFFFFFFFF;
	(pc) =	sbr.abs _section_cstart, $3  }
0xc0: {  	[dreg:$0x1] =	wrdreg $0xFFFFFFFF  }
0xc1: {  	_ =	task.clear_ibuf [dreg:s6], $0x2FFFF;
	_ =	strace $0x9FFFFFFF  }
0xc2: {  	(tm) =	ssettm $0x7FFFFFFF  }
0xc3: {  	_ =	shalt  }
tec
execute0_lowered:
.L_overlay_start_1:
0x0: {  	(tag) =	ssettag $0x1  }
0x1: {  	s0 =	srdreg.scid;
	s6 =	rddreg [dreg:$0x0]  }
0x2: {  	s2 =	rddreg [dreg:$0x1];
	s3 =	simm.s32 $0x0;
	s14 =	simm.s32 $0x80  }
0x3: {  	s15 =	simm.s32 $0x5000;
	s5 =	sand.u32 $0x1, s0;
	s0 =	stileid.u32  }
0x4: {  	s16 =	simm.s32 $0x1;
	s17 =	simm.s32 $0x0;
	s8 =	smul.u32 $0x13C00, s0  }
0x5: {  	[smem:$0x7FF] =	sst s3;
	s1 =	sshll.u32 s5, $0x4;
	s9 =	smul.u32 $0x13C000, s5  }
0x6: {  	s5 =	ssub.s32 $0x2, s5;
	s31 =	smul.u32 $0x4F000, s0;
	s12 =	sshll.u32 s0, $0x6  }
0x7: {  	s4 =	sor.u32 s0, s1;
	s1 =	rddreg [dreg:$0x2];
	_ =	strace $0x8000004D  }
0x8: {  	s11 =	sshrl.u32 s5, $0x1;
	s12 =	sor.u32 $0x1C02, s12;
	s7 =	smul.u32 $0x500, s4  }
0x9: {  	s4 =	sadd.s32 $0x5200, s6;
	s10 =	sshrl.u32 s8, $0x3;
	s8 =	sadd.s32 s8, s9  }
0xa: {  	s11 =	ssub.s32 s5, s11;
	s9 =	sshrl.u32 s31, $0x2;
	s10 =	sadd.s32 s10, s6  }
0xb: {  	s8 =	sshrl.u32 s8, $0x3;
	s13 =	sadd.s32 s9, s2;
	s9 =	smax.u32 s11, $0x1  }
0xc: {  	s11 =	simm.s32 $0x2800;
	s7 =	sadd.s32 s7, s6;
	s8 =	sadd.s32 s8, s6  }
0xd: {  	s13 =	sshrl.u32 s13, $0x3;
	s5 =	sadd.s32 $0xA1600, s7;
	s6 =	sadd.s32 $0xAB600, s7  }
0xe: {  	s7 =	sadd.s32 $0xB5600, s10;
	s8 =	sadd.s32 $0xDCE00, s8;
	s10 =	simm.s32 $0x2  }
.LBB2_1:
0xf: {  	[tilespmem:s3], [sflag:$0x2] =	stream.linear.gather [hbm4b:s5+s3], $0x2780, $0x38;
	[tilespmem:$0x1CC00] =	vst v63  }
0x10: {  	_ =	swait.ge [sflag:s10], $0x2780  }
0x11: {  	[sflag:s10] =	ssyncset.done $0x0  }
0x12: {  	[sflag:s10] =	ssyncadd.s32 $0xFFFFD880  }
0x13: {  	[tilespmem:s11], [sflag:$0x2] =	stream.linear.gather [hbm4b:s6+s3], $0x2780, $0x38;
	[tilespmem:$0x1CC00] =	vst v63  }
0x14: {  	_ =	swait.ge [sflag:s10], $0x2780  }
0x15: {  	[sflag:s10] =	ssyncset.done $0x0  }
0x16: {  	[sflag:s10] =	ssyncadd.s32 $0xFFFFD880  }
0x17: {  	[spmem:s13], [sflag:s12] =	dma.local [hbm:s7], $0x2780  }
0x18: {  	_ =	swait.ge [sflag:s10], $0x2780  }
0x19: {  	[sflag:s10] =	ssyncset.done $0x0  }
0x1a: {  	[sflag:s10] =	ssyncadd.s32 $0xFFFFD880  }
0x1b: {  	s18 =	simm.s32 $0x0;
	[bflag:$0x0] =	sbarrier.arrive $0xFFFF  }
0x1c: {  	[tilespmem:s15], [sflag:$0x1] =	stream.indirect.gather [hbm4b:s4+s14], $0x80, s18, s14, $0xb8;
	[tilespmem:$0x1CC00] =	vst v63  }
0x1d: {  	_ =	swait.ge [sflag:s16], $0x4000  }
0x1e: {  	[sflag:s16] =	ssyncset.done $0x0  }
0x1f: {  	s31 =	simm.s32 $0x2800;
	[sflag:s16] =	ssyncadd.s32 $0xFFFFC000  }
0x20: {  	[spmem:s2] =	stream.indirect.scatter.add.f32 [tilespmem:s15], [sflag:$0x2], $0x80, s31, s14, $0xb8;
	[tilespmem:$0x1CC00] =	vst v63  }
0x21: {  	_ =	swait.ge [sflag:s10], $0x4000  }
0x22: {  	s19 =	simm.s32 $0x400;
	s18 =	simm.s32 $0x200;
	[sflag:s10] =	ssyncset.done $0x0  }
.LBB2_2:
0x23: {  	s20 =	sshra.s32 s18, $0x2  }
0x24: {  	[sflag:s10] =	ssyncadd.s32 $0xFFFFC000;
	s18 =	smov.u32 s19;
	s21 =	sadd.s32 $0x200, s19  }
0x25: {  	[tilespmem:s15], [sflag:$0x1] =	stream.indirect.gather [hbm4b:s4+s14], $0x80, s20, s14, $0xb8;
	[tilespmem:$0x1CC00] =	vst v63  }
0x26: {  	p0 =	sne.s32 s19, $0x9C00;
	_ =	swait.ge [sflag:s16], $0x4000  }
.Ltmp0:
0x27: {  	[sflag:s16] =	ssyncset.done $0x0;
	(pc) =	sbr.rel @p0 .LBB2_2-.Ltmp0, $4  }
0x28: {  	s19 =	sadd.s32 $0x2800, s20;
	[sflag:s16] =	ssyncadd.s32 $0xFFFFC000  }
0x29: {  	[spmem:s2] =	stream.indirect.scatter.add.f32 [tilespmem:s15], [sflag:$0x2], $0x80, s19, s14, $0xb8;
	[tilespmem:$0x1CC00] =	vst v63  }
0x2a: {  	_ =	swait.ge [sflag:s10], $0x4000  }
0x2b: {  	s19 =	smov.u32 s21;
	[sflag:s10] =	ssyncset.done $0x0  }
0x2c: {  	s18 =	sshra.s32 s18, $0x2;
	[sflag:s10] =	ssyncadd.s32 $0xFFFFC000  }
0x2d: {  	[tilespmem:s15], [sflag:$0x1] =	stream.indirect.gather [hbm4b:s4+s14], $0x80, s18, s14, $0xb8;
	[tilespmem:$0x1CC00] =	vst v63  }
0x2e: {  	_ =	swait.ge [sflag:s16], $0x4000  }
0x2f: {  	[sflag:s16] =	ssyncset.done $0x0  }
0x30: {  	s18 =	sadd.s32 $0x2800, s18;
	[sflag:s16] =	ssyncadd.s32 $0xFFFFC000  }
0x31: {  	[spmem:s2] =	stream.indirect.scatter.add.f32 [tilespmem:s15], [sflag:$0x2], $0x80, s18, s14, $0xb8;
	[tilespmem:$0x1CC00] =	vst v63  }
0x32: {  	_ =	swait.ge [sflag:s10], $0x4000  }
0x33: {  	s17 =	sadd.s32 $0x1, s17;
	[sflag:s10] =	ssyncset.done $0x0  }
0x34: {  	p0 =	sne.s32 s17, s9;
	[sflag:s10] =	ssyncadd.s32 $0xFFFFC000  }
.Ltmp1:
0x35: {  	[bflag:$0x0] =	sbarrier.arrive $0xFFFF;
	(pc) =	sbr.rel @p0 .LBB2_1-.Ltmp1, $4  }
0x36: {  	[hbm:s8], [sflag:s12] =	dma.local [spmem:s13], $0x2780  }
0x37: {  	_ =	swait.ge [sflag:s10], $0x2780  }
0x38: {  	[sflag:s10] =	ssyncset.done $0x0  }
0x39: {  	[sflag:s10] =	ssyncadd.s32 $0xFFFFD880  }
0x3a: {  	_ =	sfence.sel $0x180000  }
0x3b: {  	[bflag:$0x0] =	sbarrier.arrive $0xFFFF  }
0x3c: {  	p0 =	sne.s32 s0, $0x0;
	_ =	strace $0x9000004D  }
0x3d: {  	s0 =	sadd.s32 @!p0 $0x100000, s1;
	[bflag:$0x2] =	sbarrier.arrive $0xFFFF  }
0x3e: {  	[sflag:s0] =	ssyncadd.tile.s32 @!p0 $0x1;
	_ =	shalt  }
.Lfunc_end2:
_tile_overlayer_lowered:
.L_overlay_start_2:
0x3f: {  	(tag) =	ssettag $0x2  }
0x40: {  	s0 =	rddreg [dreg:$0x0];
	s2 =	stileid.u32  }
0x41: {  	s1 =	rddreg [dreg:$0x1];
	p0 =	sne.s32 s2, $0x0  }
0x42: {  	s3 =	rddreg [dreg:$0x2];
	[bflag:$0x3] =	sbarrier.arrive $0xFFFF;
	s2 =	simm.s32 @!p0 $0x1C02  }
0x43: {  	[timem:s3], [sflag:s2] =	dma.local @!p0 [hbm:s0], s1  }
0x44: {  	s0 =	simm.s32 @!p0 $0x2  }
0x45: {  	_ =	swait.ge @!p0 [sflag:s0], s1  }
0x46: {  	s1 =	ssub.s32 @!p0 $0x0, s1;
	[sflag:s0] =	ssyncset.done @!p0 $0x0  }
0x47: {  	[sflag:s0] =	ssyncadd.s32 @!p0 s1  }
0x48: {  	[bflag:$0x3] =	sbarrier.arrive $0xFFFF  }
0x49: {  	_ =	shalt  }

// kernel: kernel.22.cloned.1.call-start
scs
__scs_entry_jumppad:
0x0: {  	(pc) =	sbr.rel $0x88, $3  }
0x1: {  	(tag) =	ssettag $0x0;
	lr =	simm.s32 $0x1  }
0x2: {  	[smem:$0x3F91] =	sst lr;
	_ =	strace $0xD0000000  }
0x3: {  	_ = 	snop  }
0x4: {  	_ = 	snop  }
0x5: {  	_ = 	snop  }
0x6: {  	_ = 	snop  }
0x7: {  	_ = 	snop  }
__scs_overlays_trampoline_lowered:
0x8: {  	[smem:$0x3FA0] =	sst s0  }
0x9: {  	[smem:$0x3FA1] =	sst s1  }
0xa: {  	[smem:$0x3FA2] =	sst s2  }
0xb: {  	[smem:$0x3FA3] =	sst s3  }
0xc: {  	[smem:$0x3FA4] =	sst s4  }
0xd: {  	[smem:$0x3FA5] =	sst s5  }
0xe: {  	[smem:$0x3FA6] =	sst s6  }
0xf: {  	[smem:$0x3FA7] =	sst s7  }
0x10: {  	[smem:$0x3FA8] =	sst s8  }
0x11: {  	[smem:$0x3FA9] =	sst s9;
	s0 =	simm.s32 @!p0 $0x0  }
0x12: {  	s1 =	sld [smem:$0x3F8F];
	s0 =	simm.s32 @p0 $0x1  }
0x13: {  	[smem:$0x3FAA] =	sst s0;
	s0 =	simm.s32 @!p1 $0x0  }
0x14: {  	s2 =	sld [smem:$0x3F8E];
	s0 =	simm.s32 @p1 $0x1  }
0x15: {  	[smem:$0x3FAB] =	sst s0;
	s0 =	simm.s32 @!p2 $0x0  }
0x16: {  	s3 =	sld [smem:$0x3FDB];
	s0 =	simm.s32 @p2 $0x1  }
0x17: {  	s4 =	simm.s32 $0x1BF5;
	[smem:$0x3FAD] =	sst s0  }
0x18: {  	s0 =	sld [smem:$0x3F90];
	_ =	swait.ge [sflag:s4], $0x0  }
0x19: {  	s7 =	sld [smem:$0x3F91]  }
0x1a: {  	s8 =	sadd.s32 $0xFFFFE003, lr  }
0x1b: {  	s9 =	sadd.s32 $0xFFFFFEF7, lr;
	s5 =	simm.s32 $0xFFFFFFFF;
	p2 =	slt.u32 s8, $0xFFFFF086  }
0x1c: {  	p1 =	slt.u32 s9, $0xF7A;
	s5 =	simm.s32 @!p2 $0x0  }
0x1d: {  	s5 =	simm.s32 @p1 $0x1;
	p0 =	seq.s32 s7, s2  }
0x1e: {  	s7 =	smul.u32 @!p0 $0xF7A, s2;
	p2 =	seq.s32 @!p0 s5, $0x0  }
0x1f: {  	s9 =	smul.u32 $0xF7A, s1;
	s8 =	simm.s32 @!p0 $0x1BF5;
	p2 =	por !p2, p0  }
0x20: {  	[sflag:s8] =	ssyncset.s32 @!p0 $0xFFFFF086;
	s6 =	sadd.s32 @!p0 s3, s7;
	s7 =	simm.s32 @!p0 $0x108  }
0x21: {  	s3 =	sadd.s32 s3, s9;
	s6 =	sadd.s32 @!p0 $0x88, s6;
	s7 =	simm.s32 @p2 $0x1082  }
0x22: {  	[simem:s7], [sflag:s8] =	dma.local @!p0 [hbm:s6], $0xF7A  }
0x23: {  	s9 =	sor.u32 $0xD0000000, s2;
	s6 =	simm.s32 $0x108;
	_ =	swait.ge @!p0 [sflag:s8], $0x0  }
0x24: {  	s3 =	sadd.s32 $0x88, s3;
	s6 =	simm.s32 @!p1 $0x1082;
	[sflag:s4] =	ssyncset.s32 $0xFFFFF086  }
0x25: {  	[simem:s6], [sflag:s4] =	dma.local [hbm:s3], $0xF7A  }
0x26: {  	[smem:$0x3F91] =	sst s1;
	(tag) =	ssettag s2;
	_ =	strace s9  }
0x27: {  	s1 =	sld [smem:$0x3FA1]  }
0x28: {  	s2 =	sld [smem:$0x3FA2]  }
0x29: {  	s4 =	sld [smem:$0x3FA4]  }
0x2a: {  	p0 =	seq.s32 s5, $0x0;
	s5 =	sld [smem:$0x3FA5]  }
0x2b: {  	s6 =	sld [smem:$0x3FA6]  }
0x2c: {  	s7 =	sld [smem:$0x3FA7]  }
0x2d: {  	s3 =	simm.s32 $0x108;
	s8 =	sld [smem:$0x3FA8]  }
0x2e: {  	s3 =	simm.s32 @!p0 $0x1082;
	s9 =	sld [smem:$0x3FA9]  }
0x2f: {  	lr =	sadd.s32 s0, s3;
	s0 =	sld [smem:$0x3FA0]  }
0x30: {  	s3 =	sld [smem:$0x3FA3]  }
0x31: {  	[smem:$0x3FAC] =	sst s10  }
0x32: {  	s10 =	sld [smem:$0x3FAA];
	_ =	sdelay $0x3  }
0x33: {  	p0 =	seq.s32 s10, $0x1;
	s10 =	sld [smem:$0x3FAC];
	_ =	sdelay $0x3  }
0x34: {  	[smem:$0x3FAC] =	sst s10  }
0x35: {  	s10 =	sld [smem:$0x3FAB];
	_ =	sdelay $0x3  }
0x36: {  	p1 =	seq.s32 s10, $0x1;
	s10 =	sld [smem:$0x3FAC];
	_ =	sdelay $0x3  }
0x37: {  	[smem:$0x3FAC] =	sst s10  }
0x38: {  	s10 =	sld [smem:$0x3FAD]  }
0x39: {  	_ = 	snop;
	(pc) =	sbr.ind lr, $3  }
0x3a: {  	_ = 	snop  }
0x3b: {  	_ = 	snop  }
0x3c: {  	p2 =	seq.s32 s10, $0x1;
	s10 =	sld [smem:$0x3FAC]  }
0x3d: {  	_ =	shalt  }
0x3e: {  	_ =	shalt  }
0x3f: {  	_ =	shalt  }
0x40: {  	_ =	shalt  }
0x41: {  	_ =	shalt  }
0x42: {  	_ =	shalt  }
0x43: {  	_ =	shalt  }
0x44: {  	_ =	shalt  }
0x45: {  	_ =	shalt  }
0x46: {  	_ =	shalt  }
0x47: {  	_ =	shalt  }
0x48: {  	_ =	shalt  }
0x49: {  	_ =	shalt  }
0x4a: {  	_ =	shalt  }
0x4b: {  	_ =	shalt  }
0x4c: {  	_ =	shalt  }
0x4d: {  	_ =	shalt  }
0x4e: {  	_ =	shalt  }
0x4f: {  	_ =	shalt  }
0x50: {  	_ =	shalt  }
0x51: {  	_ =	shalt  }
0x52: {  	_ =	shalt  }
0x53: {  	_ =	shalt  }
0x54: {  	_ =	shalt  }
0x55: {  	_ =	shalt  }
0x56: {  	_ =	shalt  }
0x57: {  	_ =	shalt  }
0x58: {  	_ =	shalt  }
0x59: {  	_ =	shalt  }
0x5a: {  	_ =	shalt  }
0x5b: {  	_ =	shalt  }
0x5c: {  	_ =	shalt  }
0x5d: {  	_ =	shalt  }
0x5e: {  	_ =	shalt  }
0x5f: {  	_ =	shalt  }
0x60: {  	_ =	shalt  }
0x61: {  	_ =	shalt  }
0x62: {  	_ =	shalt  }
0x63: {  	_ =	shalt  }
0x64: {  	_ =	shalt  }
0x65: {  	_ =	shalt  }
0x66: {  	_ =	shalt  }
0x67: {  	_ =	shalt  }
0x68: {  	_ =	shalt  }
0x69: {  	_ =	shalt  }
0x6a: {  	_ =	shalt  }
0x6b: {  	_ =	shalt  }
0x6c: {  	_ =	shalt  }
0x6d: {  	_ =	shalt  }
0x6e: {  	_ =	shalt  }
0x6f: {  	_ =	shalt  }
0x70: {  	_ =	shalt  }
0x71: {  	_ =	shalt  }
0x72: {  	_ =	shalt  }
0x73: {  	_ =	shalt  }
0x74: {  	_ =	shalt  }
0x75: {  	_ =	shalt  }
0x76: {  	_ =	shalt  }
0x77: {  	_ =	shalt  }
0x78: {  	_ =	shalt  }
0x79: {  	_ =	shalt  }
0x7a: {  	_ =	shalt  }
0x7b: {  	_ =	shalt  }
0x7c: {  	_ =	shalt  }
0x7d: {  	_ =	shalt  }
0x7e: {  	_ =	shalt  }
0x7f: {  	_ =	shalt  }
0x80: {  	_ =	shalt  }
0x81: {  	_ =	shalt  }
0x82: {  	_ =	shalt  }
0x83: {  	_ =	shalt  }
0x84: {  	_ =	shalt  }
0x85: {  	_ =	shalt  }
0x86: {  	_ =	shalt  }
0x87: {  	_ =	shalt  }
.Lfunc_end0:
.L_simem_size_0:
called_computation.3_lowered:
.L_overlay_start_0:
0x88: {  	s2 =	sld [smem:$0x3FD9]  }
0x89: {  	s3 =	sld [smem:$0x3FFE];
	_ =	sdelay $0x1  }
0x8a: {  	s1 =	srdreg.scid  }
0x8b: {  	s0 =	sand.u32 $0x1, s1  }
0x8c: {  	s16 =	sshll.u32 s0, $0xA;
	s2 =	sadd.s32 s3, s2  }
0x8d: {  	s2 =	sadd.s32 s2, s16  }
0x8e: {  	[smem:$0x3FB8] =	sst s2  }
0x8f: {  	_ = 	snop  }
0x90: {  	(tm) =	ssettm $0x1  }
0x91: {  	s17 =	sld [smem:$0x3FFB];
	_ =	sdelay $0x3  }
0x92: {  	_ =	strace s17  }
0x93: {  	s2 =	sld [smem:$0x3FFC];
	_ =	sdelay $0x3  }
0x94: {  	_ =	strace s2  }
0x95: {  	s2 =	sld [smem:$0x3FFD];
	_ =	sdelay $0x3  }
0x96: {  	_ =	strace s2  }
0x97: {  	_ =	strace $0x8FFFFFFF  }
0x98: {  	s18 =	sld [smem:$0x3FDB];
	_ =	sdelay $0x1  }
0x99: {  	s19 =	simm.s32 $_scs_section_size  }
0x9a: {  	s4 =	simm.s32 $_size__tile_overlayer_lowered;
	s5 =	simm.s32 $_tile_overlayer_lowered  }
0x9b: {  	s22 =	simm.s32 $0x1BFF;
	s21 =	sshll.u32 s5, $0x1;
	s2 =	sadd.s32 s19, s18  }
0x9c: {  	s6 =	simm.s32 $0x0;
	s20 =	sshll.u32 s4, $0x1;
	s4 =	sadd.s32 s21, s2  }
0x9d: {  	[timem:s6], [sflag:s22] =	dma.local [hbm:s4], s20  }
0x9e: {  	_ =	swait.ge [sflag:s22], s20  }
0x9f: {  	s3 =	ssub.s32 $0x0, s20;
	[sflag:s22] =	ssyncset.done $0x0  }
0xa0: {  	[sflag:s22] =	ssyncadd.s32 s3;
	_ =	sdelay $0x1  }
0xa1: {  	s23 =	simm.s32 $0x1B8B  }
0xa2: {  	_ =	swait.ge [sflag:s23], $0x1  }
0xa3: {  	[sflag:s23] =	ssyncset.done $0x0  }
0xa4: {  	s25 =	simm.s32 $0x1B8E;
	s24 =	sld [smem:$0x3FFE];
	[sflag:s23] =	ssyncadd.s32 $0xFFFFFFFF  }
0xa5: {  	s26 =	simm.s32 $execute0_lowered;
	[smem:$0x3FD2] =	sst s25  }
0xa6: {  	s4 =	sshll.u32 s26, $0x1;
	_ =	strace $0x8000004F;
	[dreg:$0x1] =	wrdreg $0xFFFFFFFF  }
0xa7: {  	s28 =	simm.s32 $_size_execute0_lowered;
	s2 =	sadd.s32 s2, s4;
	[dreg:$0x0] =	wrdreg $0x0  }
0xa8: {  	s4 =	sshll.u32 s28, $0x1;
	[dreg:$0x2] =	wrdreg s2  }
0xa9: {  	[dreg:$0x3] =	wrdreg s4  }
0xaa: {  	[dreg:$0x4] =	wrdreg $0xC0  }
0xab: {  	_ =	task [dreg:s6], $0x5FFFF  }
0xac: {  	[dreg:$0x1] =	wrdreg $0xFFFFFFFF  }
0xad: {  	[dreg:$0x0] =	wrdreg $0x60  }
0xae: {  	[dreg:$0x2] =	wrdreg s24  }
0xaf: {  	[dreg:$0x3] =	wrdreg $0x90000  }
0xb0: {  	[dreg:$0x4] =	wrdreg $0x9  }
0xb1: {  	_ =	task.clear_ibuf [dreg:s6], $0x5FFFF;
	_ =	strace $0x9000004F  }
0xb2: {  	s29 =	simm.s32 $0x9;
	_ =	strace $0x80000051  }
0xb3: {  	_ =	swait.ge [sflag:s29], $0x1  }
0xb4: {  	[sflag:s29] =	ssyncadd.s32 $0xFFFFFFFF  }
0xb5: {  	_ =	strace $0x90000051  }
0xb6: {  	_ =	sfence  }
0xb7: {  	s30 =	sld [smem:$0x0];
	_ =	sdelay $0x2  }
0xb8: {  	s31 =	sshll.u32 s1, $0xD;
	s1 =	sshrl.u32 s1, $0x2  }
0xb9: {  	s3 =	sand.u32 $0x4000, s31;
	s1 =	sadd.s32 s1, s30  }
0xba: {  	s0 =	sor.u32 s3, s0;
	s1 =	sshll.u32 s1, $0x11  }
0xbb: {  	s0 =	sor.u32 s1, s0  }
0xbc: {  	s0 =	sadd.s32 $0x8F2B, s0  }
0xbd: {  	[sflag:s0] =	ssyncadd.remote.s32 $0x1  }
0xbe: {  	_ =	sfence.sel $0xFFFF  }
0xbf: {  	[dreg:$0x0] =	wrdreg $0xFFFFFFFF;
	(pc) =	sbr.abs _section_cstart, $3  }
0xc0: {  	[dreg:$0x1] =	wrdreg $0xFFFFFFFF  }
0xc1: {  	_ =	task.clear_ibuf [dreg:s6], $0x2FFFF;
	_ =	strace $0x9FFFFFFF  }
0xc2: {  	(tm) =	ssettm $0x7FFFFFFF  }
0xc3: {  	_ =	shalt  }
tec
execute0_lowered:
.L_overlay_start_1:
0x0: {  	(tag) =	ssettag $0x1  }
0x1: {  	s0 =	srdreg.scid;
	s6 =	rddreg [dreg:$0x0]  }
0x2: {  	s2 =	rddreg [dreg:$0x1];
	s3 =	simm.s32 $0x0;
	s14 =	simm.s32 $0x80  }
0x3: {  	s15 =	simm.s32 $0x5000;
	s5 =	sand.u32 $0x1, s0;
	s0 =	stileid.u32  }
0x4: {  	s16 =	simm.s32 $0x1;
	s17 =	simm.s32 $0x0;
	s8 =	smul.u32 $0x13C00, s0  }
0x5: {  	[smem:$0x7FF] =	sst s3;
	s1 =	sshll.u32 s5, $0x4;
	s9 =	smul.u32 $0x13C000, s5  }
0x6: {  	s5 =	ssub.s32 $0x2, s5;
	s31 =	smul.u32 $0x4F000, s0;
	s12 =	sshll.u32 s0, $0x6  }
0x7: {  	s4 =	sor.u32 s0, s1;
	s1 =	rddreg [dreg:$0x2];
	_ =	strace $0x80000050  }
0x8: {  	s11 =	sshrl.u32 s5, $0x1;
	s12 =	sor.u32 $0x1C02, s12;
	s7 =	smul.u32 $0x500, s4  }
0x9: {  	s4 =	sadd.s32 $0x5200, s6;
	s10 =	sshrl.u32 s8, $0x3;
	s8 =	sadd.s32 s8, s9  }
0xa: {  	s11 =	ssub.s32 s5, s11;
	s9 =	sshrl.u32 s31, $0x2;
	s10 =	sadd.s32 s10, s6  }
0xb: {  	s8 =	sshrl.u32 s8, $0x3;
	s13 =	sadd.s32 s9, s2;
	s9 =	smax.u32 s11, $0x1  }
0xc: {  	s11 =	simm.s32 $0x2800;
	s7 =	sadd.s32 s7, s6;
	s8 =	sadd.s32 s8, s6  }
0xd: {  	s13 =	sshrl.u32 s13, $0x3;
	s5 =	sadd.s32 $0xA1600, s7;
	s6 =	sadd.s32 $0xAB600, s7  }
0xe: {  	s7 =	sadd.s32 $0xB5600, s10;
	s8 =	sadd.s32 $0xDCE00, s8;
	s10 =	simm.s32 $0x2  }
.LBB2_1:
0xf: {  	[tilespmem:s3], [sflag:$0x2] =	stream.linear.gather [hbm4b:s5+s3], $0x2780, $0x38;
	[tilespmem:$0x1CC00] =	vst v63  }
0x10: {  	_ =	swait.ge [sflag:s10], $0x2780  }
0x11: {  	[sflag:s10] =	ssyncset.done $0x0  }
0x12: {  	[sflag:s10] =	ssyncadd.s32 $0xFFFFD880  }
0x13: {  	[tilespmem:s11], [sflag:$0x2] =	stream.linear.gather [hbm4b:s6+s3], $0x2780, $0x38;
	[tilespmem:$0x1CC00] =	vst v63  }
0x14: {  	_ =	swait.ge [sflag:s10], $0x2780  }
0x15: {  	[sflag:s10] =	ssyncset.done $0x0  }
0x16: {  	[sflag:s10] =	ssyncadd.s32 $0xFFFFD880  }
0x17: {  	[spmem:s13], [sflag:s12] =	dma.local [hbm:s7], $0x2780  }
0x18: {  	_ =	swait.ge [sflag:s10], $0x2780  }
0x19: {  	[sflag:s10] =	ssyncset.done $0x0  }
0x1a: {  	[sflag:s10] =	ssyncadd.s32 $0xFFFFD880  }
0x1b: {  	s18 =	simm.s32 $0x0;
	[bflag:$0x0] =	sbarrier.arrive $0xFFFF  }
0x1c: {  	[tilespmem:s15], [sflag:$0x1] =	stream.indirect.gather [hbm4b:s4+s14], $0x80, s18, s14, $0xb8;
	[tilespmem:$0x1CC00] =	vst v63  }
0x1d: {  	_ =	swait.ge [sflag:s16], $0x4000  }
0x1e: {  	[sflag:s16] =	ssyncset.done $0x0  }
0x1f: {  	s31 =	simm.s32 $0x2800;
	[sflag:s16] =	ssyncadd.s32 $0xFFFFC000  }
0x20: {  	[spmem:s2] =	stream.indirect.scatter.add.f32 [tilespmem:s15], [sflag:$0x2], $0x80, s31, s14, $0xb8;
	[tilespmem:$0x1CC00] =	vst v63  }
0x21: {  	_ =	swait.ge [sflag:s10], $0x4000  }
0x22: {  	s19 =	simm.s32 $0x400;
	s18 =	simm.s32 $0x200;
	[sflag:s10] =	ssyncset.done $0x0  }
.LBB2_2:
0x23: {  	s20 =	sshra.s32 s18, $0x2  }
0x24: {  	[sflag:s10] =	ssyncadd.s32 $0xFFFFC000;
	s18 =	smov.u32 s19;
	s21 =	sadd.s32 $0x200, s19  }
0x25: {  	[tilespmem:s15], [sflag:$0x1] =	stream.indirect.gather [hbm4b:s4+s14], $0x80, s20, s14, $0xb8;
	[tilespmem:$0x1CC00] =	vst v63  }
0x26: {  	p0 =	sne.s32 s19, $0x9C00;
	_ =	swait.ge [sflag:s16], $0x4000  }
.Ltmp0:
0x27: {  	[sflag:s16] =	ssyncset.done $0x0;
	(pc) =	sbr.rel @p0 .LBB2_2-.Ltmp0, $4  }
0x28: {  	s19 =	sadd.s32 $0x2800, s20;
	[sflag:s16] =	ssyncadd.s32 $0xFFFFC000  }
0x29: {  	[spmem:s2] =	stream.indirect.scatter.add.f32 [tilespmem:s15], [sflag:$0x2], $0x80, s19, s14, $0xb8;
	[tilespmem:$0x1CC00] =	vst v63  }
0x2a: {  	_ =	swait.ge [sflag:s10], $0x4000  }
0x2b: {  	s19 =	smov.u32 s21;
	[sflag:s10] =	ssyncset.done $0x0  }
0x2c: {  	s18 =	sshra.s32 s18, $0x2;
	[sflag:s10] =	ssyncadd.s32 $0xFFFFC000  }
0x2d: {  	[tilespmem:s15], [sflag:$0x1] =	stream.indirect.gather [hbm4b:s4+s14], $0x80, s18, s14, $0xb8;
	[tilespmem:$0x1CC00] =	vst v63  }
0x2e: {  	_ =	swait.ge [sflag:s16], $0x4000  }
0x2f: {  	[sflag:s16] =	ssyncset.done $0x0  }
0x30: {  	s18 =	sadd.s32 $0x2800, s18;
	[sflag:s16] =	ssyncadd.s32 $0xFFFFC000  }
0x31: {  	[spmem:s2] =	stream.indirect.scatter.add.f32 [tilespmem:s15], [sflag:$0x2], $0x80, s18, s14, $0xb8;
	[tilespmem:$0x1CC00] =	vst v63  }
0x32: {  	_ =	swait.ge [sflag:s10], $0x4000  }
0x33: {  	s17 =	sadd.s32 $0x1, s17;
	[sflag:s10] =	ssyncset.done $0x0  }
0x34: {  	p0 =	sne.s32 s17, s9;
	[sflag:s10] =	ssyncadd.s32 $0xFFFFC000  }
.Ltmp1:
0x35: {  	[bflag:$0x0] =	sbarrier.arrive $0xFFFF;
	(pc) =	sbr.rel @p0 .LBB2_1-.Ltmp1, $4  }
0x36: {  	[hbm:s8], [sflag:s12] =	dma.local [spmem:s13], $0x2780  }
0x37: {  	_ =	swait.ge [sflag:s10], $0x2780  }
0x38: {  	[sflag:s10] =	ssyncset.done $0x0  }
0x39: {  	[sflag:s10] =	ssyncadd.s32 $0xFFFFD880  }
0x3a: {  	_ =	sfence.sel $0x180000  }
0x3b: {  	[bflag:$0x0] =	sbarrier.arrive $0xFFFF  }
0x3c: {  	p0 =	sne.s32 s0, $0x0;
	_ =	strace $0x90000050  }
0x3d: {  	s0 =	sadd.s32 @!p0 $0x100000, s1;
	[bflag:$0x2] =	sbarrier.arrive $0xFFFF  }
0x3e: {  	[sflag:s0] =	ssyncadd.tile.s32 @!p0 $0x1;
	_ =	shalt  }
.Lfunc_end2:
_tile_overlayer_lowered:
.L_overlay_start_2:
0x3f: {  	(tag) =	ssettag $0x2  }
0x40: {  	s0 =	rddreg [dreg:$0x0];
	s2 =	stileid.u32  }
0x41: {  	s1 =	rddreg [dreg:$0x1];
	p0 =	sne.s32 s2, $0x0  }
0x42: {  	s3 =	rddreg [dreg:$0x2];
	[bflag:$0x3] =	sbarrier.arrive $0xFFFF;
	s2 =	simm.s32 @!p0 $0x1C02  }
0x43: {  	[timem:s3], [sflag:s2] =	dma.local @!p0 [hbm:s0], s1  }
0x44: {  	s0 =	simm.s32 @!p0 $0x2  }
0x45: {  	_ =	swait.ge @!p0 [sflag:s0], s1  }
0x46: {  	s1 =	ssub.s32 @!p0 $0x0, s1;
	[sflag:s0] =	ssyncset.done @!p0 $0x0  }
0x47: {  	[sflag:s0] =	ssyncadd.s32 @!p0 s1  }
0x48: {  	[bflag:$0x3] =	sbarrier.arrive $0xFFFF  }
0x49: {  	_ =	shalt  }

// kernel: kernel.25.cloned.1.call-start
scs
__scs_entry_jumppad:
0x0: {  	(pc) =	sbr.rel $0x88, $3  }
0x1: {  	(tag) =	ssettag $0x0;
	lr =	simm.s32 $0x1  }
0x2: {  	[smem:$0x3F91] =	sst lr;
	_ =	strace $0xD0000000  }
0x3: {  	_ = 	snop  }
0x4: {  	_ = 	snop  }
0x5: {  	_ = 	snop  }
0x6: {  	_ = 	snop  }
0x7: {  	_ = 	snop  }
__scs_overlays_trampoline_lowered:
0x8: {  	[smem:$0x3FA0] =	sst s0  }
0x9: {  	[smem:$0x3FA1] =	sst s1  }
0xa: {  	[smem:$0x3FA2] =	sst s2  }
0xb: {  	[smem:$0x3FA3] =	sst s3  }
0xc: {  	[smem:$0x3FA4] =	sst s4  }
0xd: {  	[smem:$0x3FA5] =	sst s5  }
0xe: {  	[smem:$0x3FA6] =	sst s6  }
0xf: {  	[smem:$0x3FA7] =	sst s7  }
0x10: {  	[smem:$0x3FA8] =	sst s8  }
0x11: {  	[smem:$0x3FA9] =	sst s9;
	s0 =	simm.s32 @!p0 $0x0  }
0x12: {  	s1 =	sld [smem:$0x3F8F];
	s0 =	simm.s32 @p0 $0x1  }
0x13: {  	[smem:$0x3FAA] =	sst s0;
	s0 =	simm.s32 @!p1 $0x0  }
0x14: {  	s2 =	sld [smem:$0x3F8E];
	s0 =	simm.s32 @p1 $0x1  }
0x15: {  	[smem:$0x3FAB] =	sst s0;
	s0 =	simm.s32 @!p2 $0x0  }
0x16: {  	s3 =	sld [smem:$0x3FDB];
	s0 =	simm.s32 @p2 $0x1  }
0x17: {  	s4 =	simm.s32 $0x1BF5;
	[smem:$0x3FAD] =	sst s0  }
0x18: {  	s0 =	sld [smem:$0x3F90];
	_ =	swait.ge [sflag:s4], $0x0  }
0x19: {  	s7 =	sld [smem:$0x3F91]  }
0x1a: {  	s8 =	sadd.s32 $0xFFFFE003, lr  }
0x1b: {  	s9 =	sadd.s32 $0xFFFFFEF7, lr;
	s5 =	simm.s32 $0xFFFFFFFF;
	p2 =	slt.u32 s8, $0xFFFFF086  }
0x1c: {  	p1 =	slt.u32 s9, $0xF7A;
	s5 =	simm.s32 @!p2 $0x0  }
0x1d: {  	s5 =	simm.s32 @p1 $0x1;
	p0 =	seq.s32 s7, s2  }
0x1e: {  	s7 =	smul.u32 @!p0 $0xF7A, s2;
	p2 =	seq.s32 @!p0 s5, $0x0  }
0x1f: {  	s9 =	smul.u32 $0xF7A, s1;
	s8 =	simm.s32 @!p0 $0x1BF5;
	p2 =	por !p2, p0  }
0x20: {  	[sflag:s8] =	ssyncset.s32 @!p0 $0xFFFFF086;
	s6 =	sadd.s32 @!p0 s3, s7;
	s7 =	simm.s32 @!p0 $0x108  }
0x21: {  	s3 =	sadd.s32 s3, s9;
	s6 =	sadd.s32 @!p0 $0x88, s6;
	s7 =	simm.s32 @p2 $0x1082  }
0x22: {  	[simem:s7], [sflag:s8] =	dma.local @!p0 [hbm:s6], $0xF7A  }
0x23: {  	s9 =	sor.u32 $0xD0000000, s2;
	s6 =	simm.s32 $0x108;
	_ =	swait.ge @!p0 [sflag:s8], $0x0  }
0x24: {  	s3 =	sadd.s32 $0x88, s3;
	s6 =	simm.s32 @!p1 $0x1082;
	[sflag:s4] =	ssyncset.s32 $0xFFFFF086  }
0x25: {  	[simem:s6], [sflag:s4] =	dma.local [hbm:s3], $0xF7A  }
0x26: {  	[smem:$0x3F91] =	sst s1;
	(tag) =	ssettag s2;
	_ =	strace s9  }
0x27: {  	s1 =	sld [smem:$0x3FA1]  }
0x28: {  	s2 =	sld [smem:$0x3FA2]  }
0x29: {  	s4 =	sld [smem:$0x3FA4]  }
0x2a: {  	p0 =	seq.s32 s5, $0x0;
	s5 =	sld [smem:$0x3FA5]  }
0x2b: {  	s6 =	sld [smem:$0x3FA6]  }
0x2c: {  	s7 =	sld [smem:$0x3FA7]  }
0x2d: {  	s3 =	simm.s32 $0x108;
	s8 =	sld [smem:$0x3FA8]  }
0x2e: {  	s3 =	simm.s32 @!p0 $0x1082;
	s9 =	sld [smem:$0x3FA9]  }
0x2f: {  	lr =	sadd.s32 s0, s3;
	s0 =	sld [smem:$0x3FA0]  }
0x30: {  	s3 =	sld [smem:$0x3FA3]  }
0x31: {  	[smem:$0x3FAC] =	sst s10  }
0x32: {  	s10 =	sld [smem:$0x3FAA];
	_ =	sdelay $0x3  }
0x33: {  	p0 =	seq.s32 s10, $0x1;
	s10 =	sld [smem:$0x3FAC];
	_ =	sdelay $0x3  }
0x34: {  	[smem:$0x3FAC] =	sst s10  }
0x35: {  	s10 =	sld [smem:$0x3FAB];
	_ =	sdelay $0x3  }
0x36: {  	p1 =	seq.s32 s10, $0x1;
	s10 =	sld [smem:$0x3FAC];
	_ =	sdelay $0x3  }
0x37: {  	[smem:$0x3FAC] =	sst s10  }
0x38: {  	s10 =	sld [smem:$0x3FAD]  }
0x39: {  	_ = 	snop;
	(pc) =	sbr.ind lr, $3  }
0x3a: {  	_ = 	snop  }
0x3b: {  	_ = 	snop  }
0x3c: {  	p2 =	seq.s32 s10, $0x1;
	s10 =	sld [smem:$0x3FAC]  }
0x3d: {  	_ =	shalt  }
0x3e: {  	_ =	shalt  }
0x3f: {  	_ =	shalt  }
0x40: {  	_ =	shalt  }
0x41: {  	_ =	shalt  }
0x42: {  	_ =	shalt  }
0x43: {  	_ =	shalt  }
0x44: {  	_ =	shalt  }
0x45: {  	_ =	shalt  }
0x46: {  	_ =	shalt  }
0x47: {  	_ =	shalt  }
0x48: {  	_ =	shalt  }
0x49: {  	_ =	shalt  }
0x4a: {  	_ =	shalt  }
0x4b: {  	_ =	shalt  }
0x4c: {  	_ =	shalt  }
0x4d: {  	_ =	shalt  }
0x4e: {  	_ =	shalt  }
0x4f: {  	_ =	shalt  }
0x50: {  	_ =	shalt  }
0x51: {  	_ =	shalt  }
0x52: {  	_ =	shalt  }
0x53: {  	_ =	shalt  }
0x54: {  	_ =	shalt  }
0x55: {  	_ =	shalt  }
0x56: {  	_ =	shalt  }
0x57: {  	_ =	shalt  }
0x58: {  	_ =	shalt  }
0x59: {  	_ =	shalt  }
0x5a: {  	_ =	shalt  }
0x5b: {  	_ =	shalt  }
0x5c: {  	_ =	shalt  }
0x5d: {  	_ =	shalt  }
0x5e: {  	_ =	shalt  }
0x5f: {  	_ =	shalt  }
0x60: {  	_ =	shalt  }
0x61: {  	_ =	shalt  }
0x62: {  	_ =	shalt  }
0x63: {  	_ =	shalt  }
0x64: {  	_ =	shalt  }
0x65: {  	_ =	shalt  }
0x66: {  	_ =	shalt  }
0x67: {  	_ =	shalt  }
0x68: {  	_ =	shalt  }
0x69: {  	_ =	shalt  }
0x6a: {  	_ =	shalt  }
0x6b: {  	_ =	shalt  }
0x6c: {  	_ =	shalt  }
0x6d: {  	_ =	shalt  }
0x6e: {  	_ =	shalt  }
0x6f: {  	_ =	shalt  }
0x70: {  	_ =	shalt  }
0x71: {  	_ =	shalt  }
0x72: {  	_ =	shalt  }
0x73: {  	_ =	shalt  }
0x74: {  	_ =	shalt  }
0x75: {  	_ =	shalt  }
0x76: {  	_ =	shalt  }
0x77: {  	_ =	shalt  }
0x78: {  	_ =	shalt  }
0x79: {  	_ =	shalt  }
0x7a: {  	_ =	shalt  }
0x7b: {  	_ =	shalt  }
0x7c: {  	_ =	shalt  }
0x7d: {  	_ =	shalt  }
0x7e: {  	_ =	shalt  }
0x7f: {  	_ =	shalt  }
0x80: {  	_ =	shalt  }
0x81: {  	_ =	shalt  }
0x82: {  	_ =	shalt  }
0x83: {  	_ =	shalt  }
0x84: {  	_ =	shalt  }
0x85: {  	_ =	shalt  }
0x86: {  	_ =	shalt  }
0x87: {  	_ =	shalt  }
.Lfunc_end0:
.L_simem_size_0:
called_computation.4_lowered:
.L_overlay_start_0:
0x88: {  	s2 =	sld [smem:$0x3FD9]  }
0x89: {  	s3 =	sld [smem:$0x3FFE];
	_ =	sdelay $0x1  }
0x8a: {  	s1 =	srdreg.scid  }
0x8b: {  	s0 =	sand.u32 $0x1, s1  }
0x8c: {  	s16 =	sshll.u32 s0, $0xA;
	s2 =	sadd.s32 s3, s2  }
0x8d: {  	s2 =	sadd.s32 s2, s16  }
0x8e: {  	[smem:$0x3FB8] =	sst s2  }
0x8f: {  	_ = 	snop  }
0x90: {  	(tm) =	ssettm $0x1  }
0x91: {  	s17 =	sld [smem:$0x3FFB];
	_ =	sdelay $0x3  }
0x92: {  	_ =	strace s17  }
0x93: {  	s2 =	sld [smem:$0x3FFC];
	_ =	sdelay $0x3  }
0x94: {  	_ =	strace s2  }
0x95: {  	s2 =	sld [smem:$0x3FFD];
	_ =	sdelay $0x3  }
0x96: {  	_ =	strace s2  }
0x97: {  	_ =	strace $0x8FFFFFFF  }
0x98: {  	s18 =	sld [smem:$0x3FDB];
	_ =	sdelay $0x1  }
0x99: {  	s19 =	simm.s32 $_scs_section_size  }
0x9a: {  	s4 =	simm.s32 $_size__tile_overlayer_lowered;
	s5 =	simm.s32 $_tile_overlayer_lowered  }
0x9b: {  	s22 =	simm.s32 $0x1BFF;
	s21 =	sshll.u32 s5, $0x1;
	s2 =	sadd.s32 s19, s18  }
0x9c: {  	s6 =	simm.s32 $0x0;
	s20 =	sshll.u32 s4, $0x1;
	s4 =	sadd.s32 s21, s2  }
0x9d: {  	[timem:s6], [sflag:s22] =	dma.local [hbm:s4], s20  }
0x9e: {  	_ =	swait.ge [sflag:s22], s20  }
0x9f: {  	s3 =	ssub.s32 $0x0, s20;
	[sflag:s22] =	ssyncset.done $0x0  }
0xa0: {  	[sflag:s22] =	ssyncadd.s32 s3;
	_ =	sdelay $0x1  }
0xa1: {  	s23 =	simm.s32 $0x1B8B  }
0xa2: {  	_ =	swait.ge [sflag:s23], $0x1  }
0xa3: {  	[sflag:s23] =	ssyncset.done $0x0  }
0xa4: {  	s25 =	simm.s32 $0x1B8E;
	s24 =	sld [smem:$0x3FFE];
	[sflag:s23] =	ssyncadd.s32 $0xFFFFFFFF  }
0xa5: {  	s26 =	simm.s32 $execute0_lowered;
	[smem:$0x3FD2] =	sst s25  }
0xa6: {  	s4 =	sshll.u32 s26, $0x1;
	_ =	strace $0x80000052;
	[dreg:$0x1] =	wrdreg $0xFFFFFFFF  }
0xa7: {  	s28 =	simm.s32 $_size_execute0_lowered;
	s2 =	sadd.s32 s2, s4;
	[dreg:$0x0] =	wrdreg $0x0  }
0xa8: {  	s4 =	sshll.u32 s28, $0x1;
	[dreg:$0x2] =	wrdreg s2  }
0xa9: {  	[dreg:$0x3] =	wrdreg s4  }
0xaa: {  	[dreg:$0x4] =	wrdreg $0xC0  }
0xab: {  	_ =	task [dreg:s6], $0x5FFFF  }
0xac: {  	[dreg:$0x1] =	wrdreg $0xFFFFFFFF  }
0xad: {  	[dreg:$0x0] =	wrdreg $0x60  }
0xae: {  	[dreg:$0x2] =	wrdreg s24  }
0xaf: {  	[dreg:$0x3] =	wrdreg $0x90000  }
0xb0: {  	[dreg:$0x4] =	wrdreg $0x9  }
0xb1: {  	_ =	task.clear_ibuf [dreg:s6], $0x5FFFF;
	_ =	strace $0x90000052  }
0xb2: {  	s29 =	simm.s32 $0x9;
	_ =	strace $0x80000054  }
0xb3: {  	_ =	swait.ge [sflag:s29], $0x1  }
0xb4: {  	[sflag:s29] =	ssyncadd.s32 $0xFFFFFFFF  }
0xb5: {  	_ =	strace $0x90000054  }
0xb6: {  	_ =	sfence  }
0xb7: {  	s30 =	sld [smem:$0x0];
	_ =	sdelay $0x2  }
0xb8: {  	s31 =	sshll.u32 s1, $0xD;
	s1 =	sshrl.u32 s1, $0x2  }
0xb9: {  	s3 =	sand.u32 $0x4000, s31;
	s1 =	sadd.s32 s1, s30  }
0xba: {  	s0 =	sor.u32 s3, s0;
	s1 =	sshll.u32 s1, $0x11  }
0xbb: {  	s0 =	sor.u32 s1, s0  }
0xbc: {  	s0 =	sadd.s32 $0x8F2B, s0  }
0xbd: {  	[sflag:s0] =	ssyncadd.remote.s32 $0x1  }
0xbe: {  	_ =	sfence.sel $0xFFFF  }
0xbf: {  	[dreg:$0x0] =	wrdreg $0xFFFFFFFF;
	(pc) =	sbr.abs _section_cstart, $3  }
0xc0: {  	[dreg:$0x1] =	wrdreg $0xFFFFFFFF  }
0xc1: {  	_ =	task.clear_ibuf [dreg:s6], $0x2FFFF;
	_ =	strace $0x9FFFFFFF  }
0xc2: {  	(tm) =	ssettm $0x7FFFFFFF  }
0xc3: {  	_ =	shalt  }
tec
execute0_lowered:
.L_overlay_start_1:
0x0: {  	(tag) =	ssettag $0x1  }
0x1: {  	s0 =	srdreg.scid;
	s6 =	rddreg [dreg:$0x0]  }
0x2: {  	s2 =	rddreg [dreg:$0x1];
	s3 =	simm.s32 $0x0;
	s14 =	simm.s32 $0x80  }
0x3: {  	s15 =	simm.s32 $0x5000;
	s5 =	sand.u32 $0x1, s0;
	s0 =	stileid.u32  }
0x4: {  	s16 =	simm.s32 $0x1;
	s17 =	simm.s32 $0x0;
	s8 =	smul.u32 $0x13C00, s0  }
0x5: {  	[smem:$0x7FF] =	sst s3;
	s1 =	sshll.u32 s5, $0x4;
	s9 =	smul.u32 $0x13C000, s5  }
0x6: {  	s5 =	ssub.s32 $0x2, s5;
	s31 =	smul.u32 $0x4F000, s0;
	s12 =	sshll.u32 s0, $0x6  }
0x7: {  	s4 =	sor.u32 s0, s1;
	s1 =	rddreg [dreg:$0x2];
	_ =	strace $0x80000053  }
0x8: {  	s11 =	sshrl.u32 s5, $0x1;
	s12 =	sor.u32 $0x1C02, s12;
	s7 =	smul.u32 $0x500, s4  }
0x9: {  	s4 =	sadd.s32 $0x5000, s6;
	s10 =	sshrl.u32 s8, $0x3;
	s8 =	sadd.s32 s8, s9  }
0xa: {  	s11 =	ssub.s32 s5, s11;
	s9 =	sshrl.u32 s31, $0x2;
	s10 =	sadd.s32 s10, s6  }
0xb: {  	s8 =	sshrl.u32 s8, $0x3;
	s13 =	sadd.s32 s9, s2;
	s9 =	smax.u32 s11, $0x1  }
0xc: {  	s11 =	simm.s32 $0x2800;
	s7 =	sadd.s32 s7, s6;
	s8 =	sadd.s32 s8, s6  }
0xd: {  	s13 =	sshrl.u32 s13, $0x3;
	s5 =	sadd.s32 $0xA1600, s7;
	s6 =	sadd.s32 $0xAB600, s7  }
0xe: {  	s7 =	sadd.s32 $0xB5600, s10;
	s8 =	sadd.s32 $0xDCE00, s8;
	s10 =	simm.s32 $0x2  }
.LBB2_1:
0xf: {  	[tilespmem:s3], [sflag:$0x2] =	stream.linear.gather [hbm4b:s5+s3], $0x2780, $0x38;
	[tilespmem:$0x1CC00] =	vst v63  }
0x10: {  	_ =	swait.ge [sflag:s10], $0x2780  }
0x11: {  	[sflag:s10] =	ssyncset.done $0x0  }
0x12: {  	[sflag:s10] =	ssyncadd.s32 $0xFFFFD880  }
0x13: {  	[tilespmem:s11], [sflag:$0x2] =	stream.linear.gather [hbm4b:s6+s3], $0x2780, $0x38;
	[tilespmem:$0x1CC00] =	vst v63  }
0x14: {  	_ =	swait.ge [sflag:s10], $0x2780  }
0x15: {  	[sflag:s10] =	ssyncset.done $0x0  }
0x16: {  	[sflag:s10] =	ssyncadd.s32 $0xFFFFD880  }
0x17: {  	[spmem:s13], [sflag:s12] =	dma.local [hbm:s7], $0x2780  }
0x18: {  	_ =	swait.ge [sflag:s10], $0x2780  }
0x19: {  	[sflag:s10] =	ssyncset.done $0x0  }
0x1a: {  	[sflag:s10] =	ssyncadd.s32 $0xFFFFD880  }
0x1b: {  	s18 =	simm.s32 $0x0;
	[bflag:$0x0] =	sbarrier.arrive $0xFFFF  }
0x1c: {  	[tilespmem:s15], [sflag:$0x1] =	stream.indirect.gather [hbm4b:s4+s14], $0x80, s18, s14, $0xb8;
	[tilespmem:$0x1CC00] =	vst v63  }
0x1d: {  	_ =	swait.ge [sflag:s16], $0x4000  }
0x1e: {  	[sflag:s16] =	ssyncset.done $0x0  }
0x1f: {  	s31 =	simm.s32 $0x2800;
	[sflag:s16] =	ssyncadd.s32 $0xFFFFC000  }
0x20: {  	[spmem:s2] =	stream.indirect.scatter.add.f32 [tilespmem:s15], [sflag:$0x2], $0x80, s31, s14, $0xb8;
	[tilespmem:$0x1CC00] =	vst v63  }
0x21: {  	_ =	swait.ge [sflag:s10], $0x4000  }
0x22: {  	s19 =	simm.s32 $0x400;
	s18 =	simm.s32 $0x200;
	[sflag:s10] =	ssyncset.done $0x0  }
.LBB2_2:
0x23: {  	s20 =	sshra.s32 s18, $0x2  }
0x24: {  	[sflag:s10] =	ssyncadd.s32 $0xFFFFC000;
	s18 =	smov.u32 s19;
	s21 =	sadd.s32 $0x200, s19  }
0x25: {  	[tilespmem:s15], [sflag:$0x1] =	stream.indirect.gather [hbm4b:s4+s14], $0x80, s20, s14, $0xb8;
	[tilespmem:$0x1CC00] =	vst v63  }
0x26: {  	p0 =	sne.s32 s19, $0x9C00;
	_ =	swait.ge [sflag:s16], $0x4000  }
.Ltmp0:
0x27: {  	[sflag:s16] =	ssyncset.done $0x0;
	(pc) =	sbr.rel @p0 .LBB2_2-.Ltmp0, $4  }
0x28: {  	s19 =	sadd.s32 $0x2800, s20;
	[sflag:s16] =	ssyncadd.s32 $0xFFFFC000  }
0x29: {  	[spmem:s2] =	stream.indirect.scatter.add.f32 [tilespmem:s15], [sflag:$0x2], $0x80, s19, s14, $0xb8;
	[tilespmem:$0x1CC00] =	vst v63  }
0x2a: {  	_ =	swait.ge [sflag:s10], $0x4000  }
0x2b: {  	s19 =	smov.u32 s21;
	[sflag:s10] =	ssyncset.done $0x0  }
0x2c: {  	s18 =	sshra.s32 s18, $0x2;
	[sflag:s10] =	ssyncadd.s32 $0xFFFFC000  }
0x2d: {  	[tilespmem:s15], [sflag:$0x1] =	stream.indirect.gather [hbm4b:s4+s14], $0x80, s18, s14, $0xb8;
	[tilespmem:$0x1CC00] =	vst v63  }
0x2e: {  	_ =	swait.ge [sflag:s16], $0x4000  }
0x2f: {  	[sflag:s16] =	ssyncset.done $0x0  }
0x30: {  	s18 =	sadd.s32 $0x2800, s18;
	[sflag:s16] =	ssyncadd.s32 $0xFFFFC000  }
0x31: {  	[spmem:s2] =	stream.indirect.scatter.add.f32 [tilespmem:s15], [sflag:$0x2], $0x80, s18, s14, $0xb8;
	[tilespmem:$0x1CC00] =	vst v63  }
0x32: {  	_ =	swait.ge [sflag:s10], $0x4000  }
0x33: {  	s17 =	sadd.s32 $0x1, s17;
	[sflag:s10] =	ssyncset.done $0x0  }
0x34: {  	p0 =	sne.s32 s17, s9;
	[sflag:s10] =	ssyncadd.s32 $0xFFFFC000  }
.Ltmp1:
0x35: {  	[bflag:$0x0] =	sbarrier.arrive $0xFFFF;
	(pc) =	sbr.rel @p0 .LBB2_1-.Ltmp1, $4  }
0x36: {  	[hbm:s8], [sflag:s12] =	dma.local [spmem:s13], $0x2780  }
0x37: {  	_ =	swait.ge [sflag:s10], $0x2780  }
0x38: {  	[sflag:s10] =	ssyncset.done $0x0  }
0x39: {  	[sflag:s10] =	ssyncadd.s32 $0xFFFFD880  }
0x3a: {  	_ =	sfence.sel $0x180000  }
0x3b: {  	[bflag:$0x0] =	sbarrier.arrive $0xFFFF  }
0x3c: {  	p0 =	sne.s32 s0, $0x0;
	_ =	strace $0x90000053  }
0x3d: {  	s0 =	sadd.s32 @!p0 $0x100000, s1;
	[bflag:$0x2] =	sbarrier.arrive $0xFFFF  }
0x3e: {  	[sflag:s0] =	ssyncadd.tile.s32 @!p0 $0x1;
	_ =	shalt  }
.Lfunc_end2:
_tile_overlayer_lowered:
.L_overlay_start_2:
0x3f: {  	(tag) =	ssettag $0x2  }
0x40: {  	s0 =	rddreg [dreg:$0x0];
	s2 =	stileid.u32  }
0x41: {  	s1 =	rddreg [dreg:$0x1];
	p0 =	sne.s32 s2, $0x0  }
0x42: {  	s3 =	rddreg [dreg:$0x2];
	[bflag:$0x3] =	sbarrier.arrive $0xFFFF;
	s2 =	simm.s32 @!p0 $0x1C02  }
0x43: {  	[timem:s3], [sflag:s2] =	dma.local @!p0 [hbm:s0], s1  }
0x44: {  	s0 =	simm.s32 @!p0 $0x2  }
0x45: {  	_ =	swait.ge @!p0 [sflag:s0], s1  }
0x46: {  	s1 =	ssub.s32 @!p0 $0x0, s1;
	[sflag:s0] =	ssyncset.done @!p0 $0x0  }
0x47: {  	[sflag:s0] =	ssyncadd.s32 @!p0 s1  }
0x48: {  	[bflag:$0x3] =	sbarrier.arrive $0xFFFF  }
0x49: {  	_ =	shalt  }

</sc_bundles>
